<compile_context>
chip_gen: v7x
topology: tpu7x:2x2x1
jax: 0.10.2.dev20260603
libtpu: 0.0.44.dev20260713+nightly
codegen_flags: <defaults>
</compile_context>

<pallas_src>
import functools

import jax
import jax.numpy as jnp
from jax import lax
from jax.experimental import pallas as pl
from jax.experimental.pallas import tpu as pltpu
from jax.experimental.pallas import tpu_sc as plsc

_NC = 2
_NS = 16
_NW = _NC * _NS

_CHUNK = 1024
_UBLK = 8192


def _make_repack_body(d: int, pack: int, ublk: int):
  def _repack_body(t_ref, eye_ref, o_ref):
    eye = eye_ref[...]
    for j in range(pack):
      tj = t_ref[:, j * ublk:(j + 1) * ublk]
      o_ref[:, j * d:(j + 1) * d] = lax.dot_general(
          tj, eye, (((0,), (1,)), ((), ())),
          preferred_element_type=jnp.float32,
      )
  return _repack_body


def _repack(table_t, v_dim, d):
  pack = 128 // d
  vq = pack * _UBLK
  n_blocks = -(-v_dim // vq)
  u_pad = n_blocks * _UBLK
  eye = jnp.eye(d, dtype=jnp.float32)
  return pl.pallas_call(
      _make_repack_body(d, pack, _UBLK),
      grid=(n_blocks,),
      in_specs=[
          pl.BlockSpec((d, vq), lambda i: (0, i)),
          pl.BlockSpec((d, d), lambda i: (0, 0)),
      ],
      out_specs=pl.BlockSpec((_UBLK, 128), lambda i: (i, 0)),
      out_shape=jax.ShapeDtypeStruct((u_pad, 128), jnp.float32),
  )(table_t, eye)


def _make_gather(n_idx: int, d: int):
  per_w = n_idx // _NW
  n_chunks = per_w // _CHUNK
  assert per_w % _CHUNK == 0 and per_w % 8 == 0

  mesh = plsc.VectorSubcoreMesh(core_axis_name="c", subcore_axis_name="s")

  @functools.partial(
      pl.kernel,
      mesh=mesh,
      compiler_params=pltpu.CompilerParams(use_tc_tiling_on_sc=False),
      out_type=jax.ShapeDtypeStruct((n_idx, d), jnp.float32),
      scratch_types=[
          pltpu.VMEM((per_w,), jnp.int32),
          pltpu.VMEM((_CHUNK, d), jnp.float32),
          pltpu.SemaphoreType.DMA,
      ],
  )
  def gather_kernel(idx_hbm, rows_hbm, out_hbm, idx_v, buf, gsem):
    wid = lax.axis_index("s") * _NC + lax.axis_index("c")
    base = wid * per_w
    pltpu.sync_copy(idx_hbm.at[pl.ds(base, per_w)], idx_v)
    for c in range(n_chunks):
      pltpu.async_copy(
          rows_hbm.at[idx_v.at[pl.ds(c * _CHUNK, _CHUNK)]], buf, gsem
      ).wait()
      pltpu.sync_copy(buf, out_hbm.at[pl.ds(base + c * _CHUNK, _CHUNK)])

  return gather_kernel


def _make_sine_body(d: int, pack: int, b_quarter: int):
  def _sine_body(x_ref, w2_ref, bias_ref, off_ref, hs_ref, o_ref):
    w2 = w2_ref[...]
    bias_col = bias_ref[...]
    off_col = off_ref[...]
    hs = hs_ref[0, 0]
    for j in range(pack):
      xj = x_ref[:, j * d:(j + 1) * d]
      p2 = lax.dot_general(
          w2, xj, (((1,), (1,)), ((), ())),
          preferred_element_type=jnp.float32,
      )
      o_ref[0, :, j * b_quarter:(j + 1) * b_quarter] = (
          jnp.sin(p2 + bias_col) * hs - off_col)
  return _sine_body


def _sine(packed, w2, bias_col, off_col, half_scale, l_dim, b_dim, d):
  pack = 128 // d
  b_quarter = b_dim // pack
  return pl.pallas_call(
      _make_sine_body(d, pack, b_quarter),
      grid=(l_dim,),
      in_specs=[
          pl.BlockSpec((b_quarter, 128), lambda l: (l, 0)),
          pl.BlockSpec((d, d), lambda l: (0, 0)),
          pl.BlockSpec((d, 1), lambda l: (0, 0)),
          pl.BlockSpec((d, 1), lambda l: (0, 0)),
          pl.BlockSpec((1, 1), lambda l: (0, 0)),
      ],
      out_specs=pl.BlockSpec((1, d, b_dim), lambda l: (l, 0, 0)),
      out_shape=jax.ShapeDtypeStruct((l_dim, d, b_dim), jnp.float32),
  )(packed, w2, bias_col, off_col, half_scale)


def kernel(x, table, W, bias, scale):
  b, l = x.shape
  v_dim, d = table.shape
  n = b * l
  pack = 128 // d
  vq = pack * _UBLK

  stage = _repack(table.T, v_dim, d)
  stage_rows = stage.reshape(stage.shape[0] * pack, d)

  idx_lb = x.T.reshape(l, pack, b // pack).transpose(0, 2, 1).reshape(n)
  rem = idx_lb % vq
  idx_staged = (idx_lb - rem) + pack * (rem % _UBLK) + rem // _UBLK

  gathered = _make_gather(n, d)(idx_staged, stage_rows)
  packed = gathered.reshape(n // pack, pack * d)

  half_scale = (0.5 * scale).reshape(1, 1)
  bias_col = bias.reshape(d, 1)
  off_col = jnp.sin(bias_col) * half_scale
  out_t = _sine(packed, 2.0 * W, bias_col, off_col, half_scale, l, b, d)
  return out_t.transpose(2, 0, 1)

# --- scband reference (transcript-rebuilt; emitter-appended) ---
"""Pipeline reference for scband-vsa-sinusoid-hrr-embedding-38620345926026 (READ-ONLY COPY).

The authoritative reference and input builder live on the scoring server;
editing this copy changes nothing except your own understanding.
"""

import jax, jax.numpy as jnp
import numpy as np

VOCAB = 1000000
D_MODEL = 32
BATCH = 16384
HIST = 20


def setup_inputs(seed: int = 0) -> dict:
    key = jax.random.key(seed)
    k_x, k_tab, k_w, k_b = jax.random.split(key, 4)
    x = jax.random.randint(k_x, (BATCH, HIST), 0, VOCAB, dtype=jnp.int64 if jax.config.jax_enable_x64 else jnp.int32)
    table = jax.random.normal(k_tab, (VOCAB, D_MODEL), dtype=jnp.float32)
    # torchhd Sinusoid: weight ~ Normal(0,1) of shape (out_features, in_features)
    W = jax.random.normal(k_w, (D_MODEL, D_MODEL), dtype=jnp.float32)
    # bias ~ Uniform(0, 2*pi) of shape (1, out_features)
    bias = jax.random.uniform(k_b, (1, D_MODEL), dtype=jnp.float32) * (2.0 * np.pi)
    scale = jnp.ones((1,), dtype=jnp.float32) * 0.5
    return {"x": x, "table": table, "W": W, "bias": bias, "scale": scale}


def reference(x, table, W, bias, scale):
    # base = nn.Embedding lookup
    base = jnp.take(table, x, axis=0)  # [B, L, D]
    # torchhd embeddings.Sinusoid forward:
    #   projected = F.linear(input, weight)
    #   output = cos(projected + bias) * sin(projected)
    projected = jnp.einsum('bld,od->blo', base, W)
    out = jnp.cos(projected + bias) * jnp.sin(projected)
    # to_tensor(out) * self.scale
    return out * scale

if __name__ == "__main__":
    import jax
    _d = setup_inputs()
    print(jax.jit(kernel)(*tuple(_d.values())))

</pallas_src>

<mosaic_0001>
#map = affine_map<(d0, d1) -> (0)>
#map1 = affine_map<(d0, d1) -> (0, 0)>
module attributes {stable_mosaic.version = 14 : i64} {
  func.func @gather_kernel(%arg0: i32, %arg1: i32, %arg2: memref<327680xi32, #tpu.memory_space<hbm>>, %arg3: memref<1015808x32xf32, #tpu.memory_space<hbm>>, %arg4: memref<327680x32xf32, #tpu.memory_space<hbm>>, %arg5: memref<10240xi32, #tpu.memory_space<vmem>>, %arg6: memref<1024x32xf32, #tpu.memory_space<vmem>>, %arg7: memref<!tpu.dma_semaphore, #tpu.memory_space<semaphore_mem>>) attributes {dimension_semantics = [#tpu.dimension_semantics<core_parallel>, #tpu.dimension_semantics<subcore_parallel>], iteration_bounds = array<i64: 2, 16>, scalar_prefetch = 0 : i64, scratch_operands = 3 : i64, tpu.core_type = #tpu.core_type<sc_vector_subcore>, window_params = [{transform_indices = #map}, {transform_indices = #map1}, {transform_indices = #map1}]} {
    %mul3A = arith.constant 2 : i32
    %mul3A_0 = arith.muli %arg1, %mul3A : i32
    %add3A = arith.addi %mul3A_0, %arg0 : i32
    %mul3A_1 = arith.constant 10240 : i32
    %mul3A_2 = arith.muli %add3A, %mul3A_1 : i32
    "tpu.region"() ({
      %run_scoped3A = tpu.sem_alloc : memref<!tpu.dma_semaphore, #tpu.memory_space<semaphore_mem>>
      %dma_start3A_121 = tpu.memref_slice %arg2[%mul3A_2] : memref<327680xi32, #tpu.memory_space<hbm>> -> memref<10240xi32, #tpu.memory_space<hbm>>
      %dma_start3A_122 = tpu.memref_slice %arg2[%mul3A_2] : memref<327680xi32, #tpu.memory_space<hbm>> -> memref<10240xi32, #tpu.memory_space<hbm>>
      tpu.enqueue_dma source(%dma_start3A_122 : memref<10240xi32, #tpu.memory_space<hbm>>) target(%arg5 : memref<10240xi32, #tpu.memory_space<vmem>>) target_semaphore(%run_scoped3A : memref<!tpu.dma_semaphore, #tpu.memory_space<semaphore_mem>>)
      %dma_wait3A_123 = tpu.memref_slice %arg2[%mul3A_2] : memref<327680xi32, #tpu.memory_space<hbm>> -> memref<10240xi32, #tpu.memory_space<hbm>>
      %dma_wait3A_124 = tpu.memref_slice %arg2[%mul3A_2] : memref<327680xi32, #tpu.memory_space<hbm>> -> memref<10240xi32, #tpu.memory_space<hbm>>
      tpu.wait_dma2 semaphore(%run_scoped3A : memref<!tpu.dma_semaphore, #tpu.memory_space<semaphore_mem>>) src(%dma_wait3A_124 : memref<10240xi32, #tpu.memory_space<hbm>>) dst(%arg5 : memref<10240xi32, #tpu.memory_space<vmem>>)
      tpu.yield
    }) : () -> ()
    %dma_start3A = arith.constant 0 : i32
    %dma_start3A_3 = tpu.memref_slice %arg5[%dma_start3A] : memref<10240xi32, #tpu.memory_space<vmem>> -> memref<1024xi32, #tpu.memory_space<vmem>>
    %dma_start3A_4 = arith.constant 0 : i32
    %dma_start3A_5 = arith.constant 0 : i32
    %dma_start3A_6 = tpu.memref_slice %arg3[%dma_start3A_4, %dma_start3A_5] : memref<1015808x32xf32, #tpu.memory_space<hbm>> -> memref<1015808x32xf32, #tpu.memory_space<hbm>>
    tpu.enqueue_indirect_dma source(%dma_start3A_6 : memref<1015808x32xf32, #tpu.memory_space<hbm>>) target(%arg6 : memref<1024x32xf32, #tpu.memory_space<vmem>>) offsets(%dma_start3A_3 : memref<1024xi32, #tpu.memory_space<vmem>>) semaphore(%arg7 : memref<!tpu.dma_semaphore, #tpu.memory_space<semaphore_mem>>)
    %dma_wait3A = arith.constant 0 : i32
    %dma_wait3A_7 = tpu.memref_slice %arg5[%dma_wait3A] : memref<10240xi32, #tpu.memory_space<vmem>> -> memref<1024xi32, #tpu.memory_space<vmem>>
    %dma_wait3A_8 = arith.constant 0 : i32
    %dma_wait3A_9 = arith.constant 0 : i32
    %dma_wait3A_10 = tpu.memref_slice %arg3[%dma_wait3A_8, %dma_wait3A_9] : memref<1015808x32xf32, #tpu.memory_space<hbm>> -> memref<1015808x32xf32, #tpu.memory_space<hbm>>
    tpu.wait_indirect_dma semaphore(%arg7 : memref<!tpu.dma_semaphore, #tpu.memory_space<semaphore_mem>>) src(%dma_wait3A_10 : memref<1015808x32xf32, #tpu.memory_space<hbm>>) dst(%arg6 : memref<1024x32xf32, #tpu.memory_space<vmem>>)
    %add3A_11 = arith.constant 0 : i32
    %add3A_12 = arith.addi %mul3A_2, %add3A_11 : i32
    "tpu.region"() ({
      %run_scoped3A = tpu.sem_alloc : memref<!tpu.dma_semaphore, #tpu.memory_space<semaphore_mem>>
      %dma_start3A_121 = arith.constant 0 : i32
      %dma_start3A_122 = tpu.memref_slice %arg4[%add3A_12, %dma_start3A_121] : memref<327680x32xf32, #tpu.memory_space<hbm>> -> memref<1024x32xf32, #tpu.memory_space<hbm>>
      %dma_start3A_123 = arith.constant 0 : i32
      %dma_start3A_124 = tpu.memref_slice %arg4[%add3A_12, %dma_start3A_123] : memref<327680x32xf32, #tpu.memory_space<hbm>> -> memref<1024x32xf32, #tpu.memory_space<hbm>>
      tpu.enqueue_dma source(%arg6 : memref<1024x32xf32, #tpu.memory_space<vmem>>) target(%dma_start3A_124 : memref<1024x32xf32, #tpu.memory_space<hbm>>) target_semaphore(%run_scoped3A : memref<!tpu.dma_semaphore, #tpu.memory_space<semaphore_mem>>)
      %dma_wait3A_125 = arith.constant 0 : i32
      %dma_wait3A_126 = tpu.memref_slice %arg4[%add3A_12, %dma_wait3A_125] : memref<327680x32xf32, #tpu.memory_space<hbm>> -> memref<1024x32xf32, #tpu.memory_space<hbm>>
      %dma_wait3A_127 = arith.constant 0 : i32
      %dma_wait3A_128 = tpu.memref_slice %arg4[%add3A_12, %dma_wait3A_127] : memref<327680x32xf32, #tpu.memory_space<hbm>> -> memref<1024x32xf32, #tpu.memory_space<hbm>>
      tpu.wait_dma2 semaphore(%run_scoped3A : memref<!tpu.dma_semaphore, #tpu.memory_space<semaphore_mem>>) src(%arg6 : memref<1024x32xf32, #tpu.memory_space<vmem>>) dst(%dma_wait3A_128 : memref<1024x32xf32, #tpu.memory_space<hbm>>)
      tpu.yield
    }) : () -> ()
    %dma_start3A_13 = arith.constant 1024 : i32
    %dma_start3A_14 = tpu.memref_slice %arg5[%dma_start3A_13] : memref<10240xi32, #tpu.memory_space<vmem>> -> memref<1024xi32, #tpu.memory_space<vmem>>
    %dma_start3A_15 = arith.constant 0 : i32
    %dma_start3A_16 = arith.constant 0 : i32
    %dma_start3A_17 = tpu.memref_slice %arg3[%dma_start3A_15, %dma_start3A_16] : memref<1015808x32xf32, #tpu.memory_space<hbm>> -> memref<1015808x32xf32, #tpu.memory_space<hbm>>
    tpu.enqueue_indirect_dma source(%dma_start3A_17 : memref<1015808x32xf32, #tpu.memory_space<hbm>>) target(%arg6 : memref<1024x32xf32, #tpu.memory_space<vmem>>) offsets(%dma_start3A_14 : memref<1024xi32, #tpu.memory_space<vmem>>) semaphore(%arg7 : memref<!tpu.dma_semaphore, #tpu.memory_space<semaphore_mem>>)
    %dma_wait3A_18 = arith.constant 1024 : i32
    %dma_wait3A_19 = tpu.memref_slice %arg5[%dma_wait3A_18] : memref<10240xi32, #tpu.memory_space<vmem>> -> memref<1024xi32, #tpu.memory_space<vmem>>
    %dma_wait3A_20 = arith.constant 0 : i32
    %dma_wait3A_21 = arith.constant 0 : i32
    %dma_wait3A_22 = tpu.memref_slice %arg3[%dma_wait3A_20, %dma_wait3A_21] : memref<1015808x32xf32, #tpu.memory_space<hbm>> -> memref<1015808x32xf32, #tpu.memory_space<hbm>>
    tpu.wait_indirect_dma semaphore(%arg7 : memref<!tpu.dma_semaphore, #tpu.memory_space<semaphore_mem>>) src(%dma_wait3A_22 : memref<1015808x32xf32, #tpu.memory_space<hbm>>) dst(%arg6 : memref<1024x32xf32, #tpu.memory_space<vmem>>)
    %add3A_23 = arith.constant 1024 : i32
    %add3A_24 = arith.addi %mul3A_2, %add3A_23 : i32
    "tpu.region"() ({
      %run_scoped3A = tpu.sem_alloc : memref<!tpu.dma_semaphore, #tpu.memory_space<semaphore_mem>>
      %dma_start3A_121 = arith.constant 0 : i32
      %dma_start3A_122 = tpu.memref_slice %arg4[%add3A_24, %dma_start3A_121] : memref<327680x32xf32, #tpu.memory_space<hbm>> -> memref<1024x32xf32, #tpu.memory_space<hbm>>
      %dma_start3A_123 = arith.constant 0 : i32
      %dma_start3A_124 = tpu.memref_slice %arg4[%add3A_24, %dma_start3A_123] : memref<327680x32xf32, #tpu.memory_space<hbm>> -> memref<1024x32xf32, #tpu.memory_space<hbm>>
      tpu.enqueue_dma source(%arg6 : memref<1024x32xf32, #tpu.memory_space<vmem>>) target(%dma_start3A_124 : memref<1024x32xf32, #tpu.memory_space<hbm>>) target_semaphore(%run_scoped3A : memref<!tpu.dma_semaphore, #tpu.memory_space<semaphore_mem>>)
      %dma_wait3A_125 = arith.constant 0 : i32
      %dma_wait3A_126 = tpu.memref_slice %arg4[%add3A_24, %dma_wait3A_125] : memref<327680x32xf32, #tpu.memory_space<hbm>> -> memref<1024x32xf32, #tpu.memory_space<hbm>>
      %dma_wait3A_127 = arith.constant 0 : i32
      %dma_wait3A_128 = tpu.memref_slice %arg4[%add3A_24, %dma_wait3A_127] : memref<327680x32xf32, #tpu.memory_space<hbm>> -> memref<1024x32xf32, #tpu.memory_space<hbm>>
      tpu.wait_dma2 semaphore(%run_scoped3A : memref<!tpu.dma_semaphore, #tpu.memory_space<semaphore_mem>>) src(%arg6 : memref<1024x32xf32, #tpu.memory_space<vmem>>) dst(%dma_wait3A_128 : memref<1024x32xf32, #tpu.memory_space<hbm>>)
      tpu.yield
    }) : () -> ()
    %dma_start3A_25 = arith.constant 2048 : i32
    %dma_start3A_26 = tpu.memref_slice %arg5[%dma_start3A_25] : memref<10240xi32, #tpu.memory_space<vmem>> -> memref<1024xi32, #tpu.memory_space<vmem>>
    %dma_start3A_27 = arith.constant 0 : i32
    %dma_start3A_28 = arith.constant 0 : i32
    %dma_start3A_29 = tpu.memref_slice %arg3[%dma_start3A_27, %dma_start3A_28] : memref<1015808x32xf32, #tpu.memory_space<hbm>> -> memref<1015808x32xf32, #tpu.memory_space<hbm>>
    tpu.enqueue_indirect_dma source(%dma_start3A_29 : memref<1015808x32xf32, #tpu.memory_space<hbm>>) target(%arg6 : memref<1024x32xf32, #tpu.memory_space<vmem>>) offsets(%dma_start3A_26 : memref<1024xi32, #tpu.memory_space<vmem>>) semaphore(%arg7 : memref<!tpu.dma_semaphore, #tpu.memory_space<semaphore_mem>>)
    %dma_wait3A_30 = arith.constant 2048 : i32
    %dma_wait3A_31 = tpu.memref_slice %arg5[%dma_wait3A_30] : memref<10240xi32, #tpu.memory_space<vmem>> -> memref<1024xi32, #tpu.memory_space<vmem>>
    %dma_wait3A_32 = arith.constant 0 : i32
    %dma_wait3A_33 = arith.constant 0 : i32
    %dma_wait3A_34 = tpu.memref_slice %arg3[%dma_wait3A_32, %dma_wait3A_33] : memref<1015808x32xf32, #tpu.memory_space<hbm>> -> memref<1015808x32xf32, #tpu.memory_space<hbm>>
    tpu.wait_indirect_dma semaphore(%arg7 : memref<!tpu.dma_semaphore, #tpu.memory_space<semaphore_mem>>) src(%dma_wait3A_34 : memref<1015808x32xf32, #tpu.memory_space<hbm>>) dst(%arg6 : memref<1024x32xf32, #tpu.memory_space<vmem>>)
    %add3A_35 = arith.constant 2048 : i32
    %add3A_36 = arith.addi %mul3A_2, %add3A_35 : i32
    "tpu.region"() ({
      %run_scoped3A = tpu.sem_alloc : memref<!tpu.dma_semaphore, #tpu.memory_space<semaphore_mem>>
      %dma_start3A_121 = arith.constant 0 : i32
      %dma_start3A_122 = tpu.memref_slice %arg4[%add3A_36, %dma_start3A_121] : memref<327680x32xf32, #tpu.memory_space<hbm>> -> memref<1024x32xf32, #tpu.memory_space<hbm>>
      %dma_start3A_123 = arith.constant 0 : i32
      %dma_start3A_124 = tpu.memref_slice %arg4[%add3A_36, %dma_start3A_123] : memref<327680x32xf32, #tpu.memory_space<hbm>> -> memref<1024x32xf32, #tpu.memory_space<hbm>>
      tpu.enqueue_dma source(%arg6 : memref<1024x32xf32, #tpu.memory_space<vmem>>) target(%dma_start3A_124 : memref<1024x32xf32, #tpu.memory_space<hbm>>) target_semaphore(%run_scoped3A : memref<!tpu.dma_semaphore, #tpu.memory_space<semaphore_mem>>)
      %dma_wait3A_125 = arith.constant 0 : i32
      %dma_wait3A_126 = tpu.memref_slice %arg4[%add3A_36, %dma_wait3A_125] : memref<327680x32xf32, #tpu.memory_space<hbm>> -> memref<1024x32xf32, #tpu.memory_space<hbm>>
      %dma_wait3A_127 = arith.constant 0 : i32
      %dma_wait3A_128 = tpu.memref_slice %arg4[%add3A_36, %dma_wait3A_127] : memref<327680x32xf32, #tpu.memory_space<hbm>> -> memref<1024x32xf32, #tpu.memory_space<hbm>>
      tpu.wait_dma2 semaphore(%run_scoped3A : memref<!tpu.dma_semaphore, #tpu.memory_space<semaphore_mem>>) src(%arg6 : memref<1024x32xf32, #tpu.memory_space<vmem>>) dst(%dma_wait3A_128 : memref<1024x32xf32, #tpu.memory_space<hbm>>)
      tpu.yield
    }) : () -> ()
    %dma_start3A_37 = arith.constant 3072 : i32
    %dma_start3A_38 = tpu.memref_slice %arg5[%dma_start3A_37] : memref<10240xi32, #tpu.memory_space<vmem>> -> memref<1024xi32, #tpu.memory_space<vmem>>
    %dma_start3A_39 = arith.constant 0 : i32
    %dma_start3A_40 = arith.constant 0 : i32
    %dma_start3A_41 = tpu.memref_slice %arg3[%dma_start3A_39, %dma_start3A_40] : memref<1015808x32xf32, #tpu.memory_space<hbm>> -> memref<1015808x32xf32, #tpu.memory_space<hbm>>
    tpu.enqueue_indirect_dma source(%dma_start3A_41 : memref<1015808x32xf32, #tpu.memory_space<hbm>>) target(%arg6 : memref<1024x32xf32, #tpu.memory_space<vmem>>) offsets(%dma_start3A_38 : memref<1024xi32, #tpu.memory_space<vmem>>) semaphore(%arg7 : memref<!tpu.dma_semaphore, #tpu.memory_space<semaphore_mem>>)
    %dma_wait3A_42 = arith.constant 3072 : i32
    %dma_wait3A_43 = tpu.memref_slice %arg5[%dma_wait3A_42] : memref<10240xi32, #tpu.memory_space<vmem>> -> memref<1024xi32, #tpu.memory_space<vmem>>
    %dma_wait3A_44 = arith.constant 0 : i32
    %dma_wait3A_45 = arith.constant 0 : i32
    %dma_wait3A_46 = tpu.memref_slice %arg3[%dma_wait3A_44, %dma_wait3A_45] : memref<1015808x32xf32, #tpu.memory_space<hbm>> -> memref<1015808x32xf32, #tpu.memory_space<hbm>>
    tpu.wait_indirect_dma semaphore(%arg7 : memref<!tpu.dma_semaphore, #tpu.memory_space<semaphore_mem>>) src(%dma_wait3A_46 : memref<1015808x32xf32, #tpu.memory_space<hbm>>) dst(%arg6 : memref<1024x32xf32, #tpu.memory_space<vmem>>)
    %add3A_47 = arith.constant 3072 : i32
    %add3A_48 = arith.addi %mul3A_2, %add3A_47 : i32
    "tpu.region"() ({
      %run_scoped3A = tpu.sem_alloc : memref<!tpu.dma_semaphore, #tpu.memory_space<semaphore_mem>>
      %dma_start3A_121 = arith.constant 0 : i32
      %dma_start3A_122 = tpu.memref_slice %arg4[%add3A_48, %dma_start3A_121] : memref<327680x32xf32, #tpu.memory_space<hbm>> -> memref<1024x32xf32, #tpu.memory_space<hbm>>
      %dma_start3A_123 = arith.constant 0 : i32
      %dma_start3A_124 = tpu.memref_slice %arg4[%add3A_48, %dma_start3A_123] : memref<327680x32xf32, #tpu.memory_space<hbm>> -> memref<1024x32xf32, #tpu.memory_space<hbm>>
      tpu.enqueue_dma source(%arg6 : memref<1024x32xf32, #tpu.memory_space<vmem>>) target(%dma_start3A_124 : memref<1024x32xf32, #tpu.memory_space<hbm>>) target_semaphore(%run_scoped3A : memref<!tpu.dma_semaphore, #tpu.memory_space<semaphore_mem>>)
      %dma_wait3A_125 = arith.constant 0 : i32
      %dma_wait3A_126 = tpu.memref_slice %arg4[%add3A_48, %dma_wait3A_125] : memref<327680x32xf32, #tpu.memory_space<hbm>> -> memref<1024x32xf32, #tpu.memory_space<hbm>>
      %dma_wait3A_127 = arith.constant 0 : i32
      %dma_wait3A_128 = tpu.memref_slice %arg4[%add3A_48, %dma_wait3A_127] : memref<327680x32xf32, #tpu.memory_space<hbm>> -> memref<1024x32xf32, #tpu.memory_space<hbm>>
      tpu.wait_dma2 semaphore(%run_scoped3A : memref<!tpu.dma_semaphore, #tpu.memory_space<semaphore_mem>>) src(%arg6 : memref<1024x32xf32, #tpu.memory_space<vmem>>) dst(%dma_wait3A_128 : memref<1024x32xf32, #tpu.memory_space<hbm>>)
      tpu.yield
    }) : () -> ()
    %dma_start3A_49 = arith.constant 4096 : i32
    %dma_start3A_50 = tpu.memref_slice %arg5[%dma_start3A_49] : memref<10240xi32, #tpu.memory_space<vmem>> -> memref<1024xi32, #tpu.memory_space<vmem>>
    %dma_start3A_51 = arith.constant 0 : i32
    %dma_start3A_52 = arith.constant 0 : i32
    %dma_start3A_53 = tpu.memref_slice %arg3[%dma_start3A_51, %dma_start3A_52] : memref<1015808x32xf32, #tpu.memory_space<hbm>> -> memref<1015808x32xf32, #tpu.memory_space<hbm>>
    tpu.enqueue_indirect_dma source(%dma_start3A_53 : memref<1015808x32xf32, #tpu.memory_space<hbm>>) target(%arg6 : memref<1024x32xf32, #tpu.memory_space<vmem>>) offsets(%dma_start3A_50 : memref<1024xi32, #tpu.memory_space<vmem>>) semaphore(%arg7 : memref<!tpu.dma_semaphore, #tpu.memory_space<semaphore_mem>>)
    %dma_wait3A_54 = arith.constant 4096 : i32
    %dma_wait3A_55 = tpu.memref_slice %arg5[%dma_wait3A_54] : memref<10240xi32, #tpu.memory_space<vmem>> -> memref<1024xi32, #tpu.memory_space<vmem>>
    %dma_wait3A_56 = arith.constant 0 : i32
    %dma_wait3A_57 = arith.constant 0 : i32
    %dma_wait3A_58 = tpu.memref_slice %arg3[%dma_wait3A_56, %dma_wait3A_57] : memref<1015808x32xf32, #tpu.memory_space<hbm>> -> memref<1015808x32xf32, #tpu.memory_space<hbm>>
    tpu.wait_indirect_dma semaphore(%arg7 : memref<!tpu.dma_semaphore, #tpu.memory_space<semaphore_mem>>) src(%dma_wait3A_58 : memref<1015808x32xf32, #tpu.memory_space<hbm>>) dst(%arg6 : memref<1024x32xf32, #tpu.memory_space<vmem>>)
    %add3A_59 = arith.constant 4096 : i32
    %add3A_60 = arith.addi %mul3A_2, %add3A_59 : i32
    "tpu.region"() ({
      %run_scoped3A = tpu.sem_alloc : memref<!tpu.dma_semaphore, #tpu.memory_space<semaphore_mem>>
      %dma_start3A_121 = arith.constant 0 : i32
      %dma_start3A_122 = tpu.memref_slice %arg4[%add3A_60, %dma_start3A_121] : memref<327680x32xf32, #tpu.memory_space<hbm>> -> memref<1024x32xf32, #tpu.memory_space<hbm>>
      %dma_start3A_123 = arith.constant 0 : i32
      %dma_start3A_124 = tpu.memref_slice %arg4[%add3A_60, %dma_start3A_123] : memref<327680x32xf32, #tpu.memory_space<hbm>> -> memref<1024x32xf32, #tpu.memory_space<hbm>>
      tpu.enqueue_dma source(%arg6 : memref<1024x32xf32, #tpu.memory_space<vmem>>) target(%dma_start3A_124 : memref<1024x32xf32, #tpu.memory_space<hbm>>) target_semaphore(%run_scoped3A : memref<!tpu.dma_semaphore, #tpu.memory_space<semaphore_mem>>)
      %dma_wait3A_125 = arith.constant 0 : i32
      %dma_wait3A_126 = tpu.memref_slice %arg4[%add3A_60, %dma_wait3A_125] : memref<327680x32xf32, #tpu.memory_space<hbm>> -> memref<1024x32xf32, #tpu.memory_space<hbm>>
      %dma_wait3A_127 = arith.constant 0 : i32
      %dma_wait3A_128 = tpu.memref_slice %arg4[%add3A_60, %dma_wait3A_127] : memref<327680x32xf32, #tpu.memory_space<hbm>> -> memref<1024x32xf32, #tpu.memory_space<hbm>>
      tpu.wait_dma2 semaphore(%run_scoped3A : memref<!tpu.dma_semaphore, #tpu.memory_space<semaphore_mem>>) src(%arg6 : memref<1024x32xf32, #tpu.memory_space<vmem>>) dst(%dma_wait3A_128 : memref<1024x32xf32, #tpu.memory_space<hbm>>)
      tpu.yield
    }) : () -> ()
    %dma_start3A_61 = arith.constant 5120 : i32
    %dma_start3A_62 = tpu.memref_slice %arg5[%dma_start3A_61] : memref<10240xi32, #tpu.memory_space<vmem>> -> memref<1024xi32, #tpu.memory_space<vmem>>
    %dma_start3A_63 = arith.constant 0 : i32
    %dma_start3A_64 = arith.constant 0 : i32
    %dma_start3A_65 = tpu.memref_slice %arg3[%dma_start3A_63, %dma_start3A_64] : memref<1015808x32xf32, #tpu.memory_space<hbm>> -> memref<1015808x32xf32, #tpu.memory_space<hbm>>
    tpu.enqueue_indirect_dma source(%dma_start3A_65 : memref<1015808x32xf32, #tpu.memory_space<hbm>>) target(%arg6 : memref<1024x32xf32, #tpu.memory_space<vmem>>) offsets(%dma_start3A_62 : memref<1024xi32, #tpu.memory_space<vmem>>) semaphore(%arg7 : memref<!tpu.dma_semaphore, #tpu.memory_space<semaphore_mem>>)
    %dma_wait3A_66 = arith.constant 5120 : i32
    %dma_wait3A_67 = tpu.memref_slice %arg5[%dma_wait3A_66] : memref<10240xi32, #tpu.memory_space<vmem>> -> memref<1024xi32, #tpu.memory_space<vmem>>
    %dma_wait3A_68 = arith.constant 0 : i32
    %dma_wait3A_69 = arith.constant 0 : i32
    %dma_wait3A_70 = tpu.memref_slice %arg3[%dma_wait3A_68, %dma_wait3A_69] : memref<1015808x32xf32, #tpu.memory_space<hbm>> -> memref<1015808x32xf32, #tpu.memory_space<hbm>>
    tpu.wait_indirect_dma semaphore(%arg7 : memref<!tpu.dma_semaphore, #tpu.memory_space<semaphore_mem>>) src(%dma_wait3A_70 : memref<1015808x32xf32, #tpu.memory_space<hbm>>) dst(%arg6 : memref<1024x32xf32, #tpu.memory_space<vmem>>)
    %add3A_71 = arith.constant 5120 : i32
    %add3A_72 = arith.addi %mul3A_2, %add3A_71 : i32
    "tpu.region"() ({
      %run_scoped3A = tpu.sem_alloc : memref<!tpu.dma_semaphore, #tpu.memory_space<semaphore_mem>>
      %dma_start3A_121 = arith.constant 0 : i32
      %dma_start3A_122 = tpu.memref_slice %arg4[%add3A_72, %dma_start3A_121] : memref<327680x32xf32, #tpu.memory_space<hbm>> -> memref<1024x32xf32, #tpu.memory_space<hbm>>
      %dma_start3A_123 = arith.constant 0 : i32
      %dma_start3A_124 = tpu.memref_slice %arg4[%add3A_72, %dma_start3A_123] : memref<327680x32xf32, #tpu.memory_space<hbm>> -> memref<1024x32xf32, #tpu.memory_space<hbm>>
      tpu.enqueue_dma source(%arg6 : memref<1024x32xf32, #tpu.memory_space<vmem>>) target(%dma_start3A_124 : memref<1024x32xf32, #tpu.memory_space<hbm>>) target_semaphore(%run_scoped3A : memref<!tpu.dma_semaphore, #tpu.memory_space<semaphore_mem>>)
      %dma_wait3A_125 = arith.constant 0 : i32
      %dma_wait3A_126 = tpu.memref_slice %arg4[%add3A_72, %dma_wait3A_125] : memref<327680x32xf32, #tpu.memory_space<hbm>> -> memref<1024x32xf32, #tpu.memory_space<hbm>>
      %dma_wait3A_127 = arith.constant 0 : i32
      %dma_wait3A_128 = tpu.memref_slice %arg4[%add3A_72, %dma_wait3A_127] : memref<327680x32xf32, #tpu.memory_space<hbm>> -> memref<1024x32xf32, #tpu.memory_space<hbm>>
      tpu.wait_dma2 semaphore(%run_scoped3A : memref<!tpu.dma_semaphore, #tpu.memory_space<semaphore_mem>>) src(%arg6 : memref<1024x32xf32, #tpu.memory_space<vmem>>) dst(%dma_wait3A_128 : memref<1024x32xf32, #tpu.memory_space<hbm>>)
      tpu.yield
    }) : () -> ()
    %dma_start3A_73 = arith.constant 6144 : i32
    %dma_start3A_74 = tpu.memref_slice %arg5[%dma_start3A_73] : memref<10240xi32, #tpu.memory_space<vmem>> -> memref<1024xi32, #tpu.memory_space<vmem>>
    %dma_start3A_75 = arith.constant 0 : i32
    %dma_start3A_76 = arith.constant 0 : i32
    %dma_start3A_77 = tpu.memref_slice %arg3[%dma_start3A_75, %dma_start3A_76] : memref<1015808x32xf32, #tpu.memory_space<hbm>> -> memref<1015808x32xf32, #tpu.memory_space<hbm>>
    tpu.enqueue_indirect_dma source(%dma_start3A_77 : memref<1015808x32xf32, #tpu.memory_space<hbm>>) target(%arg6 : memref<1024x32xf32, #tpu.memory_space<vmem>>) offsets(%dma_start3A_74 : memref<1024xi32, #tpu.memory_space<vmem>>) semaphore(%arg7 : memref<!tpu.dma_semaphore, #tpu.memory_space<semaphore_mem>>)
    %dma_wait3A_78 = arith.constant 6144 : i32
    %dma_wait3A_79 = tpu.memref_slice %arg5[%dma_wait3A_78] : memref<10240xi32, #tpu.memory_space<vmem>> -> memref<1024xi32, #tpu.memory_space<vmem>>
    %dma_wait3A_80 = arith.constant 0 : i32
    %dma_wait3A_81 = arith.constant 0 : i32
    %dma_wait3A_82 = tpu.memref_slice %arg3[%dma_wait3A_80, %dma_wait3A_81] : memref<1015808x32xf32, #tpu.memory_space<hbm>> -> memref<1015808x32xf32, #tpu.memory_space<hbm>>
    tpu.wait_indirect_dma semaphore(%arg7 : memref<!tpu.dma_semaphore, #tpu.memory_space<semaphore_mem>>) src(%dma_wait3A_82 : memref<1015808x32xf32, #tpu.memory_space<hbm>>) dst(%arg6 : memref<1024x32xf32, #tpu.memory_space<vmem>>)
    %add3A_83 = arith.constant 6144 : i32
    %add3A_84 = arith.addi %mul3A_2, %add3A_83 : i32
    "tpu.region"() ({
      %run_scoped3A = tpu.sem_alloc : memref<!tpu.dma_semaphore, #tpu.memory_space<semaphore_mem>>
      %dma_start3A_121 = arith.constant 0 : i32
      %dma_start3A_122 = tpu.memref_slice %arg4[%add3A_84, %dma_start3A_121] : memref<327680x32xf32, #tpu.memory_space<hbm>> -> memref<1024x32xf32, #tpu.memory_space<hbm>>
      %dma_start3A_123 = arith.constant 0 : i32
      %dma_start3A_124 = tpu.memref_slice %arg4[%add3A_84, %dma_start3A_123] : memref<327680x32xf32, #tpu.memory_space<hbm>> -> memref<1024x32xf32, #tpu.memory_space<hbm>>
      tpu.enqueue_dma source(%arg6 : memref<1024x32xf32, #tpu.memory_space<vmem>>) target(%dma_start3A_124 : memref<1024x32xf32, #tpu.memory_space<hbm>>) target_semaphore(%run_scoped3A : memref<!tpu.dma_semaphore, #tpu.memory_space<semaphore_mem>>)
      %dma_wait3A_125 = arith.constant 0 : i32
      %dma_wait3A_126 = tpu.memref_slice %arg4[%add3A_84, %dma_wait3A_125] : memref<327680x32xf32, #tpu.memory_space<hbm>> -> memref<1024x32xf32, #tpu.memory_space<hbm>>
      %dma_wait3A_127 = arith.constant 0 : i32
      %dma_wait3A_128 = tpu.memref_slice %arg4[%add3A_84, %dma_wait3A_127] : memref<327680x32xf32, #tpu.memory_space<hbm>> -> memref<1024x32xf32, #tpu.memory_space<hbm>>
      tpu.wait_dma2 semaphore(%run_scoped3A : memref<!tpu.dma_semaphore, #tpu.memory_space<semaphore_mem>>) src(%arg6 : memref<1024x32xf32, #tpu.memory_space<vmem>>) dst(%dma_wait3A_128 : memref<1024x32xf32, #tpu.memory_space<hbm>>)
      tpu.yield
    }) : () -> ()
    %dma_start3A_85 = arith.constant 7168 : i32
    %dma_start3A_86 = tpu.memref_slice %arg5[%dma_start3A_85] : memref<10240xi32, #tpu.memory_space<vmem>> -> memref<1024xi32, #tpu.memory_space<vmem>>
    %dma_start3A_87 = arith.constant 0 : i32
    %dma_start3A_88 = arith.constant 0 : i32
    %dma_start3A_89 = tpu.memref_slice %arg3[%dma_start3A_87, %dma_start3A_88] : memref<1015808x32xf32, #tpu.memory_space<hbm>> -> memref<1015808x32xf32, #tpu.memory_space<hbm>>
    tpu.enqueue_indirect_dma source(%dma_start3A_89 : memref<1015808x32xf32, #tpu.memory_space<hbm>>) target(%arg6 : memref<1024x32xf32, #tpu.memory_space<vmem>>) offsets(%dma_start3A_86 : memref<1024xi32, #tpu.memory_space<vmem>>) semaphore(%arg7 : memref<!tpu.dma_semaphore, #tpu.memory_space<semaphore_mem>>)
    %dma_wait3A_90 = arith.constant 7168 : i32
    %dma_wait3A_91 = tpu.memref_slice %arg5[%dma_wait3A_90] : memref<10240xi32, #tpu.memory_space<vmem>> -> memref<1024xi32, #tpu.memory_space<vmem>>
    %dma_wait3A_92 = arith.constant 0 : i32
    %dma_wait3A_93 = arith.constant 0 : i32
    %dma_wait3A_94 = tpu.memref_slice %arg3[%dma_wait3A_92, %dma_wait3A_93] : memref<1015808x32xf32, #tpu.memory_space<hbm>> -> memref<1015808x32xf32, #tpu.memory_space<hbm>>
    tpu.wait_indirect_dma semaphore(%arg7 : memref<!tpu.dma_semaphore, #tpu.memory_space<semaphore_mem>>) src(%dma_wait3A_94 : memref<1015808x32xf32, #tpu.memory_space<hbm>>) dst(%arg6 : memref<1024x32xf32, #tpu.memory_space<vmem>>)
    %add3A_95 = arith.constant 7168 : i32
    %add3A_96 = arith.addi %mul3A_2, %add3A_95 : i32
    "tpu.region"() ({
      %run_scoped3A = tpu.sem_alloc : memref<!tpu.dma_semaphore, #tpu.memory_space<semaphore_mem>>
      %dma_start3A_121 = arith.constant 0 : i32
      %dma_start3A_122 = tpu.memref_slice %arg4[%add3A_96, %dma_start3A_121] : memref<327680x32xf32, #tpu.memory_space<hbm>> -> memref<1024x32xf32, #tpu.memory_space<hbm>>
      %dma_start3A_123 = arith.constant 0 : i32
      %dma_start3A_124 = tpu.memref_slice %arg4[%add3A_96, %dma_start3A_123] : memref<327680x32xf32, #tpu.memory_space<hbm>> -> memref<1024x32xf32, #tpu.memory_space<hbm>>
      tpu.enqueue_dma source(%arg6 : memref<1024x32xf32, #tpu.memory_space<vmem>>) target(%dma_start3A_124 : memref<1024x32xf32, #tpu.memory_space<hbm>>) target_semaphore(%run_scoped3A : memref<!tpu.dma_semaphore, #tpu.memory_space<semaphore_mem>>)
      %dma_wait3A_125 = arith.constant 0 : i32
      %dma_wait3A_126 = tpu.memref_slice %arg4[%add3A_96, %dma_wait3A_125] : memref<327680x32xf32, #tpu.memory_space<hbm>> -> memref<1024x32xf32, #tpu.memory_space<hbm>>
      %dma_wait3A_127 = arith.constant 0 : i32
      %dma_wait3A_128 = tpu.memref_slice %arg4[%add3A_96, %dma_wait3A_127] : memref<327680x32xf32, #tpu.memory_space<hbm>> -> memref<1024x32xf32, #tpu.memory_space<hbm>>
      tpu.wait_dma2 semaphore(%run_scoped3A : memref<!tpu.dma_semaphore, #tpu.memory_space<semaphore_mem>>) src(%arg6 : memref<1024x32xf32, #tpu.memory_space<vmem>>) dst(%dma_wait3A_128 : memref<1024x32xf32, #tpu.memory_space<hbm>>)
      tpu.yield
    }) : () -> ()
    %dma_start3A_97 = arith.constant 8192 : i32
    %dma_start3A_98 = tpu.memref_slice %arg5[%dma_start3A_97] : memref<10240xi32, #tpu.memory_space<vmem>> -> memref<1024xi32, #tpu.memory_space<vmem>>
    %dma_start3A_99 = arith.constant 0 : i32
    %dma_start3A_100 = arith.constant 0 : i32
    %dma_start3A_101 = tpu.memref_slice %arg3[%dma_start3A_99, %dma_start3A_100] : memref<1015808x32xf32, #tpu.memory_space<hbm>> -> memref<1015808x32xf32, #tpu.memory_space<hbm>>
    tpu.enqueue_indirect_dma source(%dma_start3A_101 : memref<1015808x32xf32, #tpu.memory_space<hbm>>) target(%arg6 : memref<1024x32xf32, #tpu.memory_space<vmem>>) offsets(%dma_start3A_98 : memref<1024xi32, #tpu.memory_space<vmem>>) semaphore(%arg7 : memref<!tpu.dma_semaphore, #tpu.memory_space<semaphore_mem>>)
    %dma_wait3A_102 = arith.constant 8192 : i32
    %dma_wait3A_103 = tpu.memref_slice %arg5[%dma_wait3A_102] : memref<10240xi32, #tpu.memory_space<vmem>> -> memref<1024xi32, #tpu.memory_space<vmem>>
    %dma_wait3A_104 = arith.constant 0 : i32
    %dma_wait3A_105 = arith.constant 0 : i32
    %dma_wait3A_106 = tpu.memref_slice %arg3[%dma_wait3A_104, %dma_wait3A_105] : memref<1015808x32xf32, #tpu.memory_space<hbm>> -> memref<1015808x32xf32, #tpu.memory_space<hbm>>
    tpu.wait_indirect_dma semaphore(%arg7 : memref<!tpu.dma_semaphore, #tpu.memory_space<semaphore_mem>>) src(%dma_wait3A_106 : memref<1015808x32xf32, #tpu.memory_space<hbm>>) dst(%arg6 : memref<1024x32xf32, #tpu.memory_space<vmem>>)
    %add3A_107 = arith.constant 8192 : i32
    %add3A_108 = arith.addi %mul3A_2, %add3A_107 : i32
    "tpu.region"() ({
      %run_scoped3A = tpu.sem_alloc : memref<!tpu.dma_semaphore, #tpu.memory_space<semaphore_mem>>
      %dma_start3A_121 = arith.constant 0 : i32
      %dma_start3A_122 = tpu.memref_slice %arg4[%add3A_108, %dma_start3A_121] : memref<327680x32xf32, #tpu.memory_space<hbm>> -> memref<1024x32xf32, #tpu.memory_space<hbm>>
      %dma_start3A_123 = arith.constant 0 : i32
      %dma_start3A_124 = tpu.memref_slice %arg4[%add3A_108, %dma_start3A_123] : memref<327680x32xf32, #tpu.memory_space<hbm>> -> memref<1024x32xf32, #tpu.memory_space<hbm>>
      tpu.enqueue_dma source(%arg6 : memref<1024x32xf32, #tpu.memory_space<vmem>>) target(%dma_start3A_124 : memref<1024x32xf32, #tpu.memory_space<hbm>>) target_semaphore(%run_scoped3A : memref<!tpu.dma_semaphore, #tpu.memory_space<semaphore_mem>>)
      %dma_wait3A_125 = arith.constant 0 : i32
      %dma_wait3A_126 = tpu.memref_slice %arg4[%add3A_108, %dma_wait3A_125] : memref<327680x32xf32, #tpu.memory_space<hbm>> -> memref<1024x32xf32, #tpu.memory_space<hbm>>
      %dma_wait3A_127 = arith.constant 0 : i32
      %dma_wait3A_128 = tpu.memref_slice %arg4[%add3A_108, %dma_wait3A_127] : memref<327680x32xf32, #tpu.memory_space<hbm>> -> memref<1024x32xf32, #tpu.memory_space<hbm>>
      tpu.wait_dma2 semaphore(%run_scoped3A : memref<!tpu.dma_semaphore, #tpu.memory_space<semaphore_mem>>) src(%arg6 : memref<1024x32xf32, #tpu.memory_space<vmem>>) dst(%dma_wait3A_128 : memref<1024x32xf32, #tpu.memory_space<hbm>>)
      tpu.yield
    }) : () -> ()
    %dma_start3A_109 = arith.constant 9216 : i32
    %dma_start3A_110 = tpu.memref_slice %arg5[%dma_start3A_109] : memref<10240xi32, #tpu.memory_space<vmem>> -> memref<1024xi32, #tpu.memory_space<vmem>>
    %dma_start3A_111 = arith.constant 0 : i32
    %dma_start3A_112 = arith.constant 0 : i32
    %dma_start3A_113 = tpu.memref_slice %arg3[%dma_start3A_111, %dma_start3A_112] : memref<1015808x32xf32, #tpu.memory_space<hbm>> -> memref<1015808x32xf32, #tpu.memory_space<hbm>>
    tpu.enqueue_indirect_dma source(%dma_start3A_113 : memref<1015808x32xf32, #tpu.memory_space<hbm>>) target(%arg6 : memref<1024x32xf32, #tpu.memory_space<vmem>>) offsets(%dma_start3A_110 : memref<1024xi32, #tpu.memory_space<vmem>>) semaphore(%arg7 : memref<!tpu.dma_semaphore, #tpu.memory_space<semaphore_mem>>)
    %dma_wait3A_114 = arith.constant 9216 : i32
    %dma_wait3A_115 = tpu.memref_slice %arg5[%dma_wait3A_114] : memref<10240xi32, #tpu.memory_space<vmem>> -> memref<1024xi32, #tpu.memory_space<vmem>>
    %dma_wait3A_116 = arith.constant 0 : i32
    %dma_wait3A_117 = arith.constant 0 : i32
    %dma_wait3A_118 = tpu.memref_slice %arg3[%dma_wait3A_116, %dma_wait3A_117] : memref<1015808x32xf32, #tpu.memory_space<hbm>> -> memref<1015808x32xf32, #tpu.memory_space<hbm>>
    tpu.wait_indirect_dma semaphore(%arg7 : memref<!tpu.dma_semaphore, #tpu.memory_space<semaphore_mem>>) src(%dma_wait3A_118 : memref<1015808x32xf32, #tpu.memory_space<hbm>>) dst(%arg6 : memref<1024x32xf32, #tpu.memory_space<vmem>>)
    %add3A_119 = arith.constant 9216 : i32
    %add3A_120 = arith.addi %mul3A_2, %add3A_119 : i32
    "tpu.region"() ({
      %run_scoped3A = tpu.sem_alloc : memref<!tpu.dma_semaphore, #tpu.memory_space<semaphore_mem>>
      %dma_start3A_121 = arith.constant 0 : i32
      %dma_start3A_122 = tpu.memref_slice %arg4[%add3A_120, %dma_start3A_121] : memref<327680x32xf32, #tpu.memory_space<hbm>> -> memref<1024x32xf32, #tpu.memory_space<hbm>>
      %dma_start3A_123 = arith.constant 0 : i32
      %dma_start3A_124 = tpu.memref_slice %arg4[%add3A_120, %dma_start3A_123] : memref<327680x32xf32, #tpu.memory_space<hbm>> -> memref<1024x32xf32, #tpu.memory_space<hbm>>
      tpu.enqueue_dma source(%arg6 : memref<1024x32xf32, #tpu.memory_space<vmem>>) target(%dma_start3A_124 : memref<1024x32xf32, #tpu.memory_space<hbm>>) target_semaphore(%run_scoped3A : memref<!tpu.dma_semaphore, #tpu.memory_space<semaphore_mem>>)
      %dma_wait3A_125 = arith.constant 0 : i32
      %dma_wait3A_126 = tpu.memref_slice %arg4[%add3A_120, %dma_wait3A_125] : memref<327680x32xf32, #tpu.memory_space<hbm>> -> memref<1024x32xf32, #tpu.memory_space<hbm>>
      %dma_wait3A_127 = arith.constant 0 : i32
      %dma_wait3A_128 = tpu.memref_slice %arg4[%add3A_120, %dma_wait3A_127] : memref<327680x32xf32, #tpu.memory_space<hbm>> -> memref<1024x32xf32, #tpu.memory_space<hbm>>
      tpu.wait_dma2 semaphore(%run_scoped3A : memref<!tpu.dma_semaphore, #tpu.memory_space<semaphore_mem>>) src(%arg6 : memref<1024x32xf32, #tpu.memory_space<vmem>>) dst(%dma_wait3A_128 : memref<1024x32xf32, #tpu.memory_space<hbm>>)
      tpu.yield
    }) : () -> ()
    return
  }
}

module attributes {stable_mosaic.version = 14 : i64} {
  func.func @_repack_body(%arg0: i32, %arg1: memref<32x32768xf32, #tpu.memory_space<vmem>>, %arg2: memref<32x32xf32, #tpu.memory_space<vmem>>, %arg3: memref<8192x128xf32, #tpu.memory_space<vmem>>) attributes {dimension_semantics = [#tpu.dimension_semantics<arbitrary>], iteration_bounds = array<i64: 31>, scalar_prefetch = 0 : i64, scratch_operands = 0 : i64, tpu.core_type = #tpu.core_type<tc>, window_params = [{transform_indices = @transform_0, window_bounds = array<i64: 32, 32768>}, {pipeline_mode = #tpu.pipeline_mode<synchronous>, transform_indices = @transform_1, window_bounds = array<i64: 32, 32>}, {transform_indices = @transform_2, window_bounds = array<i64: 8192, 128>}]} {
    %get3A = arith.constant 0 : index
    %get3A_0 = arith.constant 0 : index
    %get3A_1 = vector.load %arg2[%get3A, %get3A_0] : memref<32x32xf32, #tpu.memory_space<vmem>>, vector<32x32xf32>
    %get3A_2 = arith.constant 0 : index
    %get3A_3 = arith.constant 0 : index
    %get3A_4 = vector.load %arg1[%get3A_2, %get3A_3] : memref<32x32768xf32, #tpu.memory_space<vmem>>, vector<32x8192xf32>
    %dot_general3A = arith.constant dense<0.000000e+00> : vector<8192x32xf32>
    %dot_general3A_5 = tpu.matmul %get3A_4, %get3A_1, %dot_general3A {dimension_numbers = #tpu.dot_dimension_numbers<[0], [1], [1], [0], [0, 1, 1, 0], [], []>, transpose_lhs_hint = false} : vector<32x8192xf32>, vector<32x32xf32>, vector<8192x32xf32> -> vector<8192x32xf32>
    %swap3A = arith.constant 0 : index
    %swap3A_6 = arith.constant 0 : index
    %swap3A_7 = vector.load %arg3[%swap3A, %swap3A_6] : memref<8192x128xf32, #tpu.memory_space<vmem>>, vector<8192x32xf32>
    tpu.vector_store %arg3[%swap3A, %swap3A_6], %dot_general3A_5 {strides = array<i32>} : memref<8192x128xf32, #tpu.memory_space<vmem>>, vector<8192x32xf32>,
    %get3A_8 = arith.constant 0 : index
    %get3A_9 = arith.constant 8192 : index
    %get3A_10 = vector.load %arg1[%get3A_8, %get3A_9] : memref<32x32768xf32, #tpu.memory_space<vmem>>, vector<32x8192xf32>
    %dot_general3A_11 = arith.constant dense<0.000000e+00> : vector<8192x32xf32>
    %dot_general3A_12 = tpu.matmul %get3A_10, %get3A_1, %dot_general3A_11 {dimension_numbers = #tpu.dot_dimension_numbers<[0], [1], [1], [0], [0, 1, 1, 0], [], []>, transpose_lhs_hint = false} : vector<32x8192xf32>, vector<32x32xf32>, vector<8192x32xf32> -> vector<8192x32xf32>
    %swap3A_13 = arith.constant 0 : index
    %swap3A_14 = arith.constant 32 : index
    %swap3A_15 = vector.load %arg3[%swap3A_13, %swap3A_14] : memref<8192x128xf32, #tpu.memory_space<vmem>>, vector<8192x32xf32>
    tpu.vector_store %arg3[%swap3A_13, %swap3A_14], %dot_general3A_12 {strides = array<i32>} : memref<8192x128xf32, #tpu.memory_space<vmem>>, vector<8192x32xf32>,
    %get3A_16 = arith.constant 0 : index
    %get3A_17 = arith.constant 16384 : index
    %get3A_18 = vector.load %arg1[%get3A_16, %get3A_17] : memref<32x32768xf32, #tpu.memory_space<vmem>>, vector<32x8192xf32>
    %dot_general3A_19 = arith.constant dense<0.000000e+00> : vector<8192x32xf32>
    %dot_general3A_20 = tpu.matmul %get3A_18, %get3A_1, %dot_general3A_19 {dimension_numbers = #tpu.dot_dimension_numbers<[0], [1], [1], [0], [0, 1, 1, 0], [], []>, transpose_lhs_hint = false} : vector<32x8192xf32>, vector<32x32xf32>, vector<8192x32xf32> -> vector<8192x32xf32>
    %swap3A_21 = arith.constant 0 : index
    %swap3A_22 = arith.constant 64 : index
    %swap3A_23 = vector.load %arg3[%swap3A_21, %swap3A_22] : memref<8192x128xf32, #tpu.memory_space<vmem>>, vector<8192x32xf32>
    tpu.vector_store %arg3[%swap3A_21, %swap3A_22], %dot_general3A_20 {strides = array<i32>} : memref<8192x128xf32, #tpu.memory_space<vmem>>, vector<8192x32xf32>,
    %get3A_24 = arith.constant 0 : index
    %get3A_25 = arith.constant 24576 : index
    %get3A_26 = vector.load %arg1[%get3A_24, %get3A_25] : memref<32x32768xf32, #tpu.memory_space<vmem>>, vector<32x8192xf32>
    %dot_general3A_27 = arith.constant dense<0.000000e+00> : vector<8192x32xf32>
    %dot_general3A_28 = tpu.matmul %get3A_26, %get3A_1, %dot_general3A_27 {dimension_numbers = #tpu.dot_dimension_numbers<[0], [1], [1], [0], [0, 1, 1, 0], [], []>, transpose_lhs_hint = false} : vector<32x8192xf32>, vector<32x32xf32>, vector<8192x32xf32> -> vector<8192x32xf32>
    %swap3A_29 = arith.constant 0 : index
    %swap3A_30 = arith.constant 96 : index
    %swap3A_31 = vector.load %arg3[%swap3A_29, %swap3A_30] : memref<8192x128xf32, #tpu.memory_space<vmem>>, vector<8192x32xf32>
    tpu.vector_store %arg3[%swap3A_29, %swap3A_30], %dot_general3A_28 {strides = array<i32>} : memref<8192x128xf32, #tpu.memory_space<vmem>>, vector<8192x32xf32>,
    return
  }
  func.func @transform_0(%arg0: i32) -> (i32, i32) {
    %c0_i32 = arith.constant 0 : i32
    %c0_i32_0 = arith.constant 0 : i32
    return %c0_i32, %arg0 : i32, i32
  }
  func.func @transform_1(%arg0: i32) -> (i32, i32) {
    %c0_i32 = arith.constant 0 : i32
    %c0_i32_0 = arith.constant 0 : i32
    %c0_i32_1 = arith.constant 0 : i32
    return %c0_i32, %c0_i32_0 : i32, i32
  }
  func.func @transform_2(%arg0: i32) -> (i32, i32) {
    %c0_i32 = arith.constant 0 : i32
    %c0_i32_0 = arith.constant 0 : i32
    return %arg0, %c0_i32 : i32, i32
  }
}

module attributes {stable_mosaic.version = 14 : i64} {
  func.func @_sine_body(%arg0: i32, %arg1: memref<4096x128xf32, #tpu.memory_space<vmem>>, %arg2: memref<32x32xf32, #tpu.memory_space<vmem>>, %arg3: memref<32x1xf32, #tpu.memory_space<vmem>>, %arg4: memref<32x1xf32, #tpu.memory_space<vmem>>, %arg5: memref<1x1xf32, #tpu.memory_space<vmem>>, %arg6: memref<1x32x16384xf32, #tpu.memory_space<vmem>>) attributes {dimension_semantics = [#tpu.dimension_semantics<arbitrary>], iteration_bounds = array<i64: 20>, scalar_prefetch = 0 : i64, scratch_operands = 0 : i64, tpu.core_type = #tpu.core_type<tc>, window_params = [{transform_indices = @transform_0, window_bounds = array<i64: 4096, 128>}, {pipeline_mode = #tpu.pipeline_mode<synchronous>, transform_indices = @transform_1, window_bounds = array<i64: 32, 32>}, {pipeline_mode = #tpu.pipeline_mode<synchronous>, transform_indices = @transform_2, window_bounds = array<i64: 32, 1>}, {pipeline_mode = #tpu.pipeline_mode<synchronous>, transform_indices = @transform_3, window_bounds = array<i64: 32, 1>}, {pipeline_mode = #tpu.pipeline_mode<synchronous>, transform_indices = @transform_4, window_bounds = array<i64: 1, 1>}, {transform_indices = @transform_5, window_bounds = array<i64: 1, 32, 16384>}]} {
    %get3A = arith.constant 0 : index
    %get3A_0 = arith.constant 0 : index
    %get3A_1 = vector.load %arg2[%get3A, %get3A_0] : memref<32x32xf32, #tpu.memory_space<vmem>>, vector<32x32xf32>
    %get3A_2 = arith.constant 0 : index
    %get3A_3 = arith.constant 0 : index
    %get3A_4 = vector.load %arg3[%get3A_2, %get3A_3] : memref<32x1xf32, #tpu.memory_space<vmem>>, vector<32x1xf32>
    %get3A_5 = arith.constant 0 : index
    %get3A_6 = arith.constant 0 : index
    %get3A_7 = vector.load %arg4[%get3A_5, %get3A_6] : memref<32x1xf32, #tpu.memory_space<vmem>>, vector<32x1xf32>
    %get3A_8 = arith.constant 0 : index
    %get3A_9 = arith.constant 0 : index
    %get3A_10 = vector.load %arg5[%get3A_8, %get3A_9] : memref<1x1xf32, #tpu.memory_space<vmem>>, vector<1x1xf32>
    %get3A_11 = vector.extract %get3A_10[0, 0] : f32 from vector<1x1xf32>
    %get3A_12 = arith.constant 0 : index
    %get3A_13 = arith.constant 0 : index
    %get3A_14 = vector.load %arg1[%get3A_12, %get3A_13] : memref<4096x128xf32, #tpu.memory_space<vmem>>, vector<4096x32xf32>
    %dot_general3A = arith.constant dense<0.000000e+00> : vector<32x4096xf32>
    %dot_general3A_15 = tpu.matmul %get3A_1, %get3A_14, %dot_general3A {dimension_numbers = #tpu.dot_dimension_numbers<[1], [1], [0], [0], [0, 0, 1, 0], [], []>, transpose_lhs_hint = false} : vector<32x32xf32>, vector<4096x32xf32>, vector<32x4096xf32> -> vector<32x4096xf32>
    %add3A = vector.broadcast %get3A_4 : vector<32x1xf32> to vector<32x4096xf32>
    %add3A_16 = arith.addf %dot_general3A_15, %add3A : vector<32x4096xf32>
    %sin3A = math.sin %add3A_16 : vector<32x4096xf32>
    %mul3A = vector.broadcast %get3A_11 : f32 to vector<32x4096xf32>
    %mul3A_17 = arith.mulf %sin3A, %mul3A : vector<32x4096xf32>
    %sub3A = vector.broadcast %get3A_7 : vector<32x1xf32> to vector<32x4096xf32>
    %sub3A_18 = arith.subf %mul3A_17, %sub3A : vector<32x4096xf32>
    %swap3A = arith.constant 0 : index
    %swap3A_19 = arith.constant 0 : index
    %swap3A_20 = arith.constant 0 : index
    %swap3A_21 = vector.load %arg6[%swap3A, %swap3A_19, %swap3A_20] : memref<1x32x16384xf32, #tpu.memory_space<vmem>>, vector<1x32x4096xf32>
    %swap3A_22 = vector.shape_cast %swap3A_21 : vector<1x32x4096xf32> to vector<32x4096xf32>
    %swap3A_23 = vector.shape_cast %sub3A_18 : vector<32x4096xf32> to vector<1x32x4096xf32>
    tpu.vector_store %arg6[%swap3A, %swap3A_19, %swap3A_20], %swap3A_23 {strides = array<i32>} : memref<1x32x16384xf32, #tpu.memory_space<vmem>>, vector<1x32x4096xf32>,
    %get3A_24 = arith.constant 0 : index
    %get3A_25 = arith.constant 32 : index
    %get3A_26 = vector.load %arg1[%get3A_24, %get3A_25] : memref<4096x128xf32, #tpu.memory_space<vmem>>, vector<4096x32xf32>
    %dot_general3A_27 = arith.constant dense<0.000000e+00> : vector<32x4096xf32>
    %dot_general3A_28 = tpu.matmul %get3A_1, %get3A_26, %dot_general3A_27 {dimension_numbers = #tpu.dot_dimension_numbers<[1], [1], [0], [0], [0, 0, 1, 0], [], []>, transpose_lhs_hint = false} : vector<32x32xf32>, vector<4096x32xf32>, vector<32x4096xf32> -> vector<32x4096xf32>
    %add3A_29 = vector.broadcast %get3A_4 : vector<32x1xf32> to vector<32x4096xf32>
    %add3A_30 = arith.addf %dot_general3A_28, %add3A_29 : vector<32x4096xf32>
    %sin3A_31 = math.sin %add3A_30 : vector<32x4096xf32>
    %mul3A_32 = vector.broadcast %get3A_11 : f32 to vector<32x4096xf32>
    %mul3A_33 = arith.mulf %sin3A_31, %mul3A_32 : vector<32x4096xf32>
    %sub3A_34 = vector.broadcast %get3A_7 : vector<32x1xf32> to vector<32x4096xf32>
    %sub3A_35 = arith.subf %mul3A_33, %sub3A_34 : vector<32x4096xf32>
    %swap3A_36 = arith.constant 0 : index
    %swap3A_37 = arith.constant 0 : index
    %swap3A_38 = arith.constant 4096 : index
    %swap3A_39 = vector.load %arg6[%swap3A_36, %swap3A_37, %swap3A_38] : memref<1x32x16384xf32, #tpu.memory_space<vmem>>, vector<1x32x4096xf32>
    %swap3A_40 = vector.shape_cast %swap3A_39 : vector<1x32x4096xf32> to vector<32x4096xf32>
    %swap3A_41 = vector.shape_cast %sub3A_35 : vector<32x4096xf32> to vector<1x32x4096xf32>
    tpu.vector_store %arg6[%swap3A_36, %swap3A_37, %swap3A_38], %swap3A_41 {strides = array<i32>} : memref<1x32x16384xf32, #tpu.memory_space<vmem>>, vector<1x32x4096xf32>,
    %get3A_42 = arith.constant 0 : index
    %get3A_43 = arith.constant 64 : index
    %get3A_44 = vector.load %arg1[%get3A_42, %get3A_43] : memref<4096x128xf32, #tpu.memory_space<vmem>>, vector<4096x32xf32>
    %dot_general3A_45 = arith.constant dense<0.000000e+00> : vector<32x4096xf32>
    %dot_general3A_46 = tpu.matmul %get3A_1, %get3A_44, %dot_general3A_45 {dimension_numbers = #tpu.dot_dimension_numbers<[1], [1], [0], [0], [0, 0, 1, 0], [], []>, transpose_lhs_hint = false} : vector<32x32xf32>, vector<4096x32xf32>, vector<32x4096xf32> -> vector<32x4096xf32>
    %add3A_47 = vector.broadcast %get3A_4 : vector<32x1xf32> to vector<32x4096xf32>
    %add3A_48 = arith.addf %dot_general3A_46, %add3A_47 : vector<32x4096xf32>
    %sin3A_49 = math.sin %add3A_48 : vector<32x4096xf32>
    %mul3A_50 = vector.broadcast %get3A_11 : f32 to vector<32x4096xf32>
    %mul3A_51 = arith.mulf %sin3A_49, %mul3A_50 : vector<32x4096xf32>
    %sub3A_52 = vector.broadcast %get3A_7 : vector<32x1xf32> to vector<32x4096xf32>
    %sub3A_53 = arith.subf %mul3A_51, %sub3A_52 : vector<32x4096xf32>
    %swap3A_54 = arith.constant 0 : index
    %swap3A_55 = arith.constant 0 : index
    %swap3A_56 = arith.constant 8192 : index
    %swap3A_57 = vector.load %arg6[%swap3A_54, %swap3A_55, %swap3A_56] : memref<1x32x16384xf32, #tpu.memory_space<vmem>>, vector<1x32x4096xf32>
    %swap3A_58 = vector.shape_cast %swap3A_57 : vector<1x32x4096xf32> to vector<32x4096xf32>
    %swap3A_59 = vector.shape_cast %sub3A_53 : vector<32x4096xf32> to vector<1x32x4096xf32>
    tpu.vector_store %arg6[%swap3A_54, %swap3A_55, %swap3A_56], %swap3A_59 {strides = array<i32>} : memref<1x32x16384xf32, #tpu.memory_space<vmem>>, vector<1x32x4096xf32>,
    %get3A_60 = arith.constant 0 : index
    %get3A_61 = arith.constant 96 : index
    %get3A_62 = vector.load %arg1[%get3A_60, %get3A_61] : memref<4096x128xf32, #tpu.memory_space<vmem>>, vector<4096x32xf32>
    %dot_general3A_63 = arith.constant dense<0.000000e+00> : vector<32x4096xf32>
    %dot_general3A_64 = tpu.matmul %get3A_1, %get3A_62, %dot_general3A_63 {dimension_numbers = #tpu.dot_dimension_numbers<[1], [1], [0], [0], [0, 0, 1, 0], [], []>, transpose_lhs_hint = false} : vector<32x32xf32>, vector<4096x32xf32>, vector<32x4096xf32> -> vector<32x4096xf32>
    %add3A_65 = vector.broadcast %get3A_4 : vector<32x1xf32> to vector<32x4096xf32>
    %add3A_66 = arith.addf %dot_general3A_64, %add3A_65 : vector<32x4096xf32>
    %sin3A_67 = math.sin %add3A_66 : vector<32x4096xf32>
    %mul3A_68 = vector.broadcast %get3A_11 : f32 to vector<32x4096xf32>
    %mul3A_69 = arith.mulf %sin3A_67, %mul3A_68 : vector<32x4096xf32>
    %sub3A_70 = vector.broadcast %get3A_7 : vector<32x1xf32> to vector<32x4096xf32>
    %sub3A_71 = arith.subf %mul3A_69, %sub3A_70 : vector<32x4096xf32>
    %swap3A_72 = arith.constant 0 : index
    %swap3A_73 = arith.constant 0 : index
    %swap3A_74 = arith.constant 12288 : index
    %swap3A_75 = vector.load %arg6[%swap3A_72, %swap3A_73, %swap3A_74] : memref<1x32x16384xf32, #tpu.memory_space<vmem>>, vector<1x32x4096xf32>
    %swap3A_76 = vector.shape_cast %swap3A_75 : vector<1x32x4096xf32> to vector<32x4096xf32>
    %swap3A_77 = vector.shape_cast %sub3A_71 : vector<32x4096xf32> to vector<1x32x4096xf32>
    tpu.vector_store %arg6[%swap3A_72, %swap3A_73, %swap3A_74], %swap3A_77 {strides = array<i32>} : memref<1x32x16384xf32, #tpu.memory_space<vmem>>, vector<1x32x4096xf32>,
    return
  }
  func.func @transform_0(%arg0: i32) -> (i32, i32) {
    %c0_i32 = arith.constant 0 : i32
    %c0_i32_0 = arith.constant 0 : i32
    return %arg0, %c0_i32 : i32, i32
  }
  func.func @transform_1(%arg0: i32) -> (i32, i32) {
    %c0_i32 = arith.constant 0 : i32
    %c0_i32_0 = arith.constant 0 : i32
    %c0_i32_1 = arith.constant 0 : i32
    return %c0_i32, %c0_i32_0 : i32, i32
  }
  func.func @transform_2(%arg0: i32) -> (i32, i32) {
    %c0_i32 = arith.constant 0 : i32
    %c0_i32_0 = arith.constant 0 : i32
    %c0_i32_1 = arith.constant 0 : i32
    return %c0_i32, %c0_i32_0 : i32, i32
  }
  func.func @transform_3(%arg0: i32) -> (i32, i32) {
    %c0_i32 = arith.constant 0 : i32
    %c0_i32_0 = arith.constant 0 : i32
    %c0_i32_1 = arith.constant 0 : i32
    return %c0_i32, %c0_i32_0 : i32, i32
  }
  func.func @transform_4(%arg0: i32) -> (i32, i32) {
    %c0_i32 = arith.constant 0 : i32
    %c0_i32_0 = arith.constant 0 : i32
    %c0_i32_1 = arith.constant 0 : i32
    return %c0_i32, %c0_i32_0 : i32, i32
  }
  func.func @transform_5(%arg0: i32) -> (i32, i32, i32) {
    %c0_i32 = arith.constant 0 : i32
    %c0_i32_0 = arith.constant 0 : i32
    %c0_i32_1 = arith.constant 0 : i32
    return %arg0, %c0_i32, %c0_i32_0 : i32, i32, i32
  }
}

</mosaic_0001>

<sc_bundles>
// kernel: kernel.5.cloned.1.call-start
scs
__scs_entry_jumppad:
0x0: {  	(pc) =	sbr.rel $0x88, $3  }
0x1: {  	(tag) =	ssettag $0x0;
	lr =	simm.s32 $0x1  }
0x2: {  	[smem:$0x3F9C] =	sst lr;
	_ =	strace $0xD0000000  }
0x3: {  	_ = 	snop  }
0x4: {  	_ = 	snop  }
0x5: {  	_ = 	snop  }
0x6: {  	_ = 	snop  }
0x7: {  	_ = 	snop  }
__scs_overlays_trampoline_lowered:
0x8: {  	[smem:$0x3FAB] =	sst s0  }
0x9: {  	[smem:$0x3FAC] =	sst s1  }
0xa: {  	[smem:$0x3FAD] =	sst s2  }
0xb: {  	[smem:$0x3FAE] =	sst s3  }
0xc: {  	[smem:$0x3FAF] =	sst s4  }
0xd: {  	[smem:$0x3FB0] =	sst s5  }
0xe: {  	[smem:$0x3FB1] =	sst s6  }
0xf: {  	[smem:$0x3FB2] =	sst s7  }
0x10: {  	[smem:$0x3FB3] =	sst s8  }
0x11: {  	[smem:$0x3FB4] =	sst s9;
	s0 =	simm.s32 @!p0 $0x0  }
0x12: {  	s1 =	sld [smem:$0x3F9A];
	s0 =	simm.s32 @p0 $0x1  }
0x13: {  	[smem:$0x3FB5] =	sst s0;
	s0 =	simm.s32 @!p1 $0x0  }
0x14: {  	s2 =	sld [smem:$0x3F99];
	s0 =	simm.s32 @p1 $0x1  }
0x15: {  	[smem:$0x3FB6] =	sst s0;
	s0 =	simm.s32 @!p2 $0x0  }
0x16: {  	s3 =	sld [smem:$0x3FDB];
	s0 =	simm.s32 @p2 $0x1  }
0x17: {  	s4 =	simm.s32 $0x1BF5;
	[smem:$0x3FB8] =	sst s0  }
0x18: {  	s0 =	sld [smem:$0x3F9B];
	_ =	swait.ge [sflag:s4], $0x0  }
0x19: {  	s7 =	sld [smem:$0x3F9C]  }
0x1a: {  	s8 =	sadd.s32 $0xFFFFE003, lr  }
0x1b: {  	s9 =	sadd.s32 $0xFFFFFEF7, lr;
	s5 =	simm.s32 $0xFFFFFFFF;
	p2 =	slt.u32 s8, $0xFFFFF086  }
0x1c: {  	p1 =	slt.u32 s9, $0xF7A;
	s5 =	simm.s32 @!p2 $0x0  }
0x1d: {  	s5 =	simm.s32 @p1 $0x1;
	p0 =	seq.s32 s7, s2  }
0x1e: {  	s7 =	smul.u32 @!p0 $0xF7A, s2;
	p2 =	seq.s32 @!p0 s5, $0x0  }
0x1f: {  	s9 =	smul.u32 $0xF7A, s1;
	s8 =	simm.s32 @!p0 $0x1BF5;
	p2 =	por !p2, p0  }
0x20: {  	[sflag:s8] =	ssyncset.s32 @!p0 $0xFFFFF086;
	s6 =	sadd.s32 @!p0 s3, s7;
	s7 =	simm.s32 @!p0 $0x108  }
0x21: {  	s3 =	sadd.s32 s3, s9;
	s6 =	sadd.s32 @!p0 $0x88, s6;
	s7 =	simm.s32 @p2 $0x1082  }
0x22: {  	[simem:s7], [sflag:s8] =	dma.local @!p0 [hbm:s6], $0xF7A  }
0x23: {  	s9 =	sor.u32 $0xD0000000, s2;
	s6 =	simm.s32 $0x108;
	_ =	swait.ge @!p0 [sflag:s8], $0x0  }
0x24: {  	s3 =	sadd.s32 $0x88, s3;
	s6 =	simm.s32 @!p1 $0x1082;
	[sflag:s4] =	ssyncset.s32 $0xFFFFF086  }
0x25: {  	[simem:s6], [sflag:s4] =	dma.local [hbm:s3], $0xF7A  }
0x26: {  	[smem:$0x3F9C] =	sst s1;
	(tag) =	ssettag s2;
	_ =	strace s9  }
0x27: {  	s1 =	sld [smem:$0x3FAC]  }
0x28: {  	s2 =	sld [smem:$0x3FAD]  }
0x29: {  	s4 =	sld [smem:$0x3FAF]  }
0x2a: {  	p0 =	seq.s32 s5, $0x0;
	s5 =	sld [smem:$0x3FB0]  }
0x2b: {  	s6 =	sld [smem:$0x3FB1]  }
0x2c: {  	s7 =	sld [smem:$0x3FB2]  }
0x2d: {  	s3 =	simm.s32 $0x108;
	s8 =	sld [smem:$0x3FB3]  }
0x2e: {  	s3 =	simm.s32 @!p0 $0x1082;
	s9 =	sld [smem:$0x3FB4]  }
0x2f: {  	lr =	sadd.s32 s0, s3;
	s0 =	sld [smem:$0x3FAB]  }
0x30: {  	s3 =	sld [smem:$0x3FAE]  }
0x31: {  	[smem:$0x3FB7] =	sst s10  }
0x32: {  	s10 =	sld [smem:$0x3FB5];
	_ =	sdelay $0x3  }
0x33: {  	p0 =	seq.s32 s10, $0x1;
	s10 =	sld [smem:$0x3FB7];
	_ =	sdelay $0x3  }
0x34: {  	[smem:$0x3FB7] =	sst s10  }
0x35: {  	s10 =	sld [smem:$0x3FB6];
	_ =	sdelay $0x3  }
0x36: {  	p1 =	seq.s32 s10, $0x1;
	s10 =	sld [smem:$0x3FB7];
	_ =	sdelay $0x3  }
0x37: {  	[smem:$0x3FB7] =	sst s10  }
0x38: {  	s10 =	sld [smem:$0x3FB8]  }
0x39: {  	_ = 	snop;
	(pc) =	sbr.ind lr, $3  }
0x3a: {  	_ = 	snop  }
0x3b: {  	_ = 	snop  }
0x3c: {  	p2 =	seq.s32 s10, $0x1;
	s10 =	sld [smem:$0x3FB7]  }
0x3d: {  	_ =	shalt  }
0x3e: {  	_ =	shalt  }
0x3f: {  	_ =	shalt  }
0x40: {  	_ =	shalt  }
0x41: {  	_ =	shalt  }
0x42: {  	_ =	shalt  }
0x43: {  	_ =	shalt  }
0x44: {  	_ =	shalt  }
0x45: {  	_ =	shalt  }
0x46: {  	_ =	shalt  }
0x47: {  	_ =	shalt  }
0x48: {  	_ =	shalt  }
0x49: {  	_ =	shalt  }
0x4a: {  	_ =	shalt  }
0x4b: {  	_ =	shalt  }
0x4c: {  	_ =	shalt  }
0x4d: {  	_ =	shalt  }
0x4e: {  	_ =	shalt  }
0x4f: {  	_ =	shalt  }
0x50: {  	_ =	shalt  }
0x51: {  	_ =	shalt  }
0x52: {  	_ =	shalt  }
0x53: {  	_ =	shalt  }
0x54: {  	_ =	shalt  }
0x55: {  	_ =	shalt  }
0x56: {  	_ =	shalt  }
0x57: {  	_ =	shalt  }
0x58: {  	_ =	shalt  }
0x59: {  	_ =	shalt  }
0x5a: {  	_ =	shalt  }
0x5b: {  	_ =	shalt  }
0x5c: {  	_ =	shalt  }
0x5d: {  	_ =	shalt  }
0x5e: {  	_ =	shalt  }
0x5f: {  	_ =	shalt  }
0x60: {  	_ =	shalt  }
0x61: {  	_ =	shalt  }
0x62: {  	_ =	shalt  }
0x63: {  	_ =	shalt  }
0x64: {  	_ =	shalt  }
0x65: {  	_ =	shalt  }
0x66: {  	_ =	shalt  }
0x67: {  	_ =	shalt  }
0x68: {  	_ =	shalt  }
0x69: {  	_ =	shalt  }
0x6a: {  	_ =	shalt  }
0x6b: {  	_ =	shalt  }
0x6c: {  	_ =	shalt  }
0x6d: {  	_ =	shalt  }
0x6e: {  	_ =	shalt  }
0x6f: {  	_ =	shalt  }
0x70: {  	_ =	shalt  }
0x71: {  	_ =	shalt  }
0x72: {  	_ =	shalt  }
0x73: {  	_ =	shalt  }
0x74: {  	_ =	shalt  }
0x75: {  	_ =	shalt  }
0x76: {  	_ =	shalt  }
0x77: {  	_ =	shalt  }
0x78: {  	_ =	shalt  }
0x79: {  	_ =	shalt  }
0x7a: {  	_ =	shalt  }
0x7b: {  	_ =	shalt  }
0x7c: {  	_ =	shalt  }
0x7d: {  	_ =	shalt  }
0x7e: {  	_ =	shalt  }
0x7f: {  	_ =	shalt  }
0x80: {  	_ =	shalt  }
0x81: {  	_ =	shalt  }
0x82: {  	_ =	shalt  }
0x83: {  	_ =	shalt  }
0x84: {  	_ =	shalt  }
0x85: {  	_ =	shalt  }
0x86: {  	_ =	shalt  }
0x87: {  	_ =	shalt  }
.Lfunc_end0:
.L_simem_size_0:
called_computation_lowered:
.L_overlay_start_0:
0x88: {  	s2 =	sld [smem:$0x3FD9]  }
0x89: {  	s3 =	sld [smem:$0x3FFE];
	_ =	sdelay $0x1  }
0x8a: {  	s1 =	srdreg.scid  }
0x8b: {  	s0 =	sand.u32 $0x1, s1  }
0x8c: {  	s17 =	sshll.u32 s0, $0xA;
	s2 =	sadd.s32 s3, s2  }
0x8d: {  	s2 =	sadd.s32 s2, s17  }
0x8e: {  	[smem:$0x3FC3] =	sst s2  }
0x8f: {  	_ = 	snop  }
0x90: {  	s2 =	sld [smem:$0x3FD0];
	(tm) =	ssettm $0x1  }
0x91: {  	s18 =	sld [smem:$0x3FFB];
	_ =	sdelay $0x3  }
0x92: {  	_ =	strace s18  }
0x93: {  	s3 =	sld [smem:$0x3FFC];
	_ =	sdelay $0x3  }
0x94: {  	_ =	strace s3  }
0x95: {  	s3 =	sld [smem:$0x3FFD];
	_ =	sdelay $0x3  }
0x96: {  	_ =	strace s3  }
0x97: {  	_ =	strace $0x8FFFFFFF  }
0x98: {  	s19 =	sld [smem:$0x3FDB];
	_ =	sdelay $0x1  }
0x99: {  	s4 =	simm.s32 $_scs_section_size  }
0x9a: {  	s5 =	simm.s32 $_size__tile_overlayer_lowered;
	s6 =	simm.s32 $_tile_overlayer_lowered  }
0x9b: {  	s22 =	simm.s32 $0x1BFF;
	s21 =	sshll.u32 s6, $0x1;
	s3 =	sadd.s32 s4, s19  }
0x9c: {  	s7 =	simm.s32 $0x0;
	s20 =	sshll.u32 s5, $0x1;
	s5 =	sadd.s32 s21, s3  }
0x9d: {  	[timem:s7], [sflag:s22] =	dma.local [hbm:s5], s20  }
0x9e: {  	_ =	swait.ge [sflag:s22], s20  }
0x9f: {  	s4 =	ssub.s32 $0x0, s20;
	[sflag:s22] =	ssyncset.done $0x0  }
0xa0: {  	[sflag:s22] =	ssyncadd.s32 s4;
	_ =	sdelay $0x1  }
0xa1: {  	s23 =	simm.s32 $0x1B8B  }
0xa2: {  	_ =	swait.ge [sflag:s23], $0x1  }
0xa3: {  	[sflag:s23] =	ssyncset.done $0x0  }
0xa4: {  	s25 =	simm.s32 $0x1B8E;
	s24 =	sld [smem:$0x3FFE];
	[sflag:s23] =	ssyncadd.s32 $0xFFFFFFFF  }
0xa5: {  	s26 =	simm.s32 $execute0_lowered;
	[smem:$0x3FD2] =	sst s25  }
0xa6: {  	s5 =	sshll.u32 s26, $0x1;
	_ =	strace $0x80000046;
	[dreg:$0x1] =	wrdreg $0xFFFFFFFF  }
0xa7: {  	s28 =	simm.s32 $_size_execute0_lowered;
	s3 =	sadd.s32 s3, s5;
	[dreg:$0x0] =	wrdreg $0x0  }
0xa8: {  	s5 =	sshll.u32 s28, $0x1;
	[dreg:$0x2] =	wrdreg s3  }
0xa9: {  	[dreg:$0x3] =	wrdreg s5  }
0xaa: {  	[dreg:$0x4] =	wrdreg $0xC0  }
0xab: {  	_ =	task [dreg:s7], $0x5FFFF  }
0xac: {  	[dreg:$0x1] =	wrdreg $0xFFFFFFFF  }
0xad: {  	[dreg:$0x0] =	wrdreg $0x60  }
0xae: {  	[dreg:$0x2] =	wrdreg s2  }
0xaf: {  	[dreg:$0x3] =	wrdreg s24  }
0xb0: {  	[dreg:$0x4] =	wrdreg $0x9  }
0xb1: {  	_ =	task.clear_ibuf [dreg:s7], $0x5FFFF;
	_ =	strace $0x90000046  }
0xb2: {  	s29 =	simm.s32 $0x9;
	_ =	strace $0x80000048  }
0xb3: {  	_ =	swait.ge [sflag:s29], $0x1  }
0xb4: {  	[sflag:s29] =	ssyncadd.s32 $0xFFFFFFFF  }
0xb5: {  	_ =	strace $0x90000048  }
0xb6: {  	_ =	sfence  }
0xb7: {  	s30 =	sld [smem:$0x0];
	_ =	sdelay $0x2  }
0xb8: {  	s31 =	sshll.u32 s1, $0xD;
	s1 =	sshrl.u32 s1, $0x2  }
0xb9: {  	s3 =	sand.u32 $0x4000, s31;
	s1 =	sadd.s32 s1, s30  }
0xba: {  	s0 =	sor.u32 s3, s0;
	s1 =	sshll.u32 s1, $0x11  }
0xbb: {  	s0 =	sor.u32 s1, s0  }
0xbc: {  	s0 =	sadd.s32 $0x8F2B, s0  }
0xbd: {  	[sflag:s0] =	ssyncadd.remote.s32 $0x1  }
0xbe: {  	_ =	sfence.sel $0xFFFF  }
0xbf: {  	[dreg:$0x0] =	wrdreg $0xFFFFFFFF;
	(pc) =	sbr.abs _section_cstart, $3  }
0xc0: {  	[dreg:$0x1] =	wrdreg $0xFFFFFFFF  }
0xc1: {  	_ =	task.clear_ibuf [dreg:s7], $0x2FFFF;
	_ =	strace $0x9FFFFFFF  }
0xc2: {  	(tm) =	ssettm $0x7FFFFFFF  }
0xc3: {  	_ =	shalt  }
tec
execute0_lowered:
.L_overlay_start_1:
0x0: {  	(tag) =	ssettag $0x1  }
0x1: {  	s1 =	srdreg.scid;
	s0 =	stileid.u32  }
0x2: {  	s3 =	rddreg [dreg:$0x0];
	s25 =	sand.u32 $0x1, s1;
	s31 =	sshll.u32 s0, $0x1  }
0x3: {  	s9 =	rddreg [dreg:$0x1];
	s11 =	sor.u32 s25, s31  }
0x4: {  	s2 =	simm.s32 $0x0;
	s1 =	rddreg [dreg:$0x2];
	s4 =	smul.u32 $0x500, s11  }
0x5: {  	[smem:$0x7FF] =	sst s2  }
0x6: {  	_ =	strace $0x80000047;
	s4 =	sadd.s32 s3, s4;
	s3 =	simm.s32 $0x2  }
0x7: {  	[tilespmem:s2], [sflag:$0x2] =	stream.linear.gather [hbm4b:s4+s2], $0x2800, $0x38;
	[tilespmem:$0xA800] =	vst v63  }
0x8: {  	_ =	swait.ge [sflag:s3], $0x2800  }
0x9: {  	s6 =	simm.s32 $0x400;
	s7 =	simm.s32 $0x2800;
	[sflag:s3] =	ssyncset.done $0x0  }
0xa: {  	s8 =	simm.s32 $0x1;
	s5 =	sadd.s32 $0x800, s9;
	[sflag:s3] =	ssyncadd.s32 $0xFFFFD800  }
0xb: {  	[tilespmem:s7], [sflag:$0x1] =	stream.indirect.gather [hbm4b:s5+s6], $0x20, s2, s6, $0xb8;
	[tilespmem:$0xA800] =	vst v63  }
0xc: {  	s10 =	smul.u32 $0xA000, s11;
	_ =	swait.ge [sflag:s8], $0x8000  }
0xd: {  	s12 =	sadd.s32 $0x3E0800, s9;
	[sflag:s8] =	ssyncset.done $0x0  }
0xe: {  	s9 =	sadd.s32 s12, s10;
	[sflag:s8] =	ssyncadd.s32 $0xFFFF8000  }
0xf: {  	[hbm4b:s9+s2] =	stream.linear.scatter [tilespmem:s7], [sflag:$0x2], $0x8000, $0x38;
	[tilespmem:$0xA800] =	vst v63  }
0x10: {  	_ =	swait.ge [sflag:s3], $0x8000  }
0x11: {  	[sflag:s3] =	ssyncset.done $0x0  }
0x12: {  	[sflag:s3] =	ssyncadd.s32 $0xFFFF8000  }
0x13: {  	[tilespmem:s7], [sflag:$0x1] =	stream.indirect.gather [hbm4b:s5+s6], $0x20, s6, s6, $0xb8;
	[tilespmem:$0xA800] =	vst v63  }
0x14: {  	_ =	swait.ge [sflag:s8], $0x8000  }
0x15: {  	[sflag:s8] =	ssyncset.done $0x0  }
0x16: {  	s10 =	sadd.s32 $0x1000, s9;
	[sflag:s8] =	ssyncadd.s32 $0xFFFF8000  }
0x17: {  	[hbm4b:s10+s2] =	stream.linear.scatter [tilespmem:s7], [sflag:$0x2], $0x8000, $0x38;
	[tilespmem:$0xA800] =	vst v63  }
0x18: {  	_ =	swait.ge [sflag:s3], $0x8000  }
0x19: {  	[sflag:s3] =	ssyncset.done $0x0  }
0x1a: {  	s13 =	smul.u32 $0x50000, s11;
	s11 =	simm.s32 $0x800;
	[sflag:s3] =	ssyncadd.s32 $0xFFFF8000  }
0x1b: {  	[tilespmem:s7], [sflag:$0x1] =	stream.indirect.gather [hbm4b:s5+s6], $0x20, s11, s6, $0xb8;
	[tilespmem:$0xA800] =	vst v63  }
0x1c: {  	s13 =	sshrl.u32 s13, $0x3;
	_ =	swait.ge [sflag:s8], $0x8000  }
0x1d: {  	s26 =	sadd.s32 s12, s13;
	[sflag:s8] =	ssyncset.done $0x0  }
0x1e: {  	s12 =	sadd.s32 $0x2000, s26;
	[sflag:s8] =	ssyncadd.s32 $0xFFFF8000  }
0x1f: {  	[hbm4b:s12+s2] =	stream.linear.scatter [tilespmem:s7], [sflag:$0x2], $0x8000, $0x38;
	[tilespmem:$0xA800] =	vst v63  }
0x20: {  	_ =	swait.ge [sflag:s3], $0x8000  }
0x21: {  	[sflag:s3] =	ssyncset.done $0x0  }
0x22: {  	s13 =	simm.s32 $0xC00;
	[sflag:s3] =	ssyncadd.s32 $0xFFFF8000  }
0x23: {  	[tilespmem:s7], [sflag:$0x1] =	stream.indirect.gather [hbm4b:s5+s6], $0x20, s13, s6, $0xb8;
	[tilespmem:$0xA800] =	vst v63  }
0x24: {  	_ =	swait.ge [sflag:s8], $0x8000  }
0x25: {  	[sflag:s8] =	ssyncset.done $0x0  }
0x26: {  	s14 =	sadd.s32 $0x3000, s26;
	[sflag:s8] =	ssyncadd.s32 $0xFFFF8000  }
0x27: {  	[hbm4b:s14+s2] =	stream.linear.scatter [tilespmem:s7], [sflag:$0x2], $0x8000, $0x38;
	[tilespmem:$0xA800] =	vst v63  }
0x28: {  	_ =	swait.ge [sflag:s3], $0x8000  }
0x29: {  	[sflag:s3] =	ssyncset.done $0x0  }
0x2a: {  	s15 =	simm.s32 $0x1000;
	[sflag:s3] =	ssyncadd.s32 $0xFFFF8000  }
0x2b: {  	[tilespmem:s7], [sflag:$0x1] =	stream.indirect.gather [hbm4b:s5+s6], $0x20, s15, s6, $0xb8;
	[tilespmem:$0xA800] =	vst v63  }
0x2c: {  	_ =	swait.ge [sflag:s8], $0x8000  }
0x2d: {  	[sflag:s8] =	ssyncset.done $0x0  }
0x2e: {  	s16 =	sadd.s32 $0x4000, s26;
	[sflag:s8] =	ssyncadd.s32 $0xFFFF8000  }
0x2f: {  	[hbm4b:s16+s2] =	stream.linear.scatter [tilespmem:s7], [sflag:$0x2], $0x8000, $0x38;
	[tilespmem:$0xA800] =	vst v63  }
0x30: {  	_ =	swait.ge [sflag:s3], $0x8000  }
0x31: {  	[sflag:s3] =	ssyncset.done $0x0  }
0x32: {  	s17 =	simm.s32 $0x1400;
	[sflag:s3] =	ssyncadd.s32 $0xFFFF8000  }
0x33: {  	[tilespmem:s7], [sflag:$0x1] =	stream.indirect.gather [hbm4b:s5+s6], $0x20, s17, s6, $0xb8;
	[tilespmem:$0xA800] =	vst v63  }
0x34: {  	_ =	swait.ge [sflag:s8], $0x8000  }
0x35: {  	[sflag:s8] =	ssyncset.done $0x0  }
0x36: {  	s18 =	sadd.s32 $0x5000, s26;
	[sflag:s8] =	ssyncadd.s32 $0xFFFF8000  }
0x37: {  	[hbm4b:s18+s2] =	stream.linear.scatter [tilespmem:s7], [sflag:$0x2], $0x8000, $0x38;
	[tilespmem:$0xA800] =	vst v63  }
0x38: {  	_ =	swait.ge [sflag:s3], $0x8000  }
0x39: {  	[sflag:s3] =	ssyncset.done $0x0  }
0x3a: {  	s19 =	simm.s32 $0x1800;
	[sflag:s3] =	ssyncadd.s32 $0xFFFF8000  }
0x3b: {  	[tilespmem:s7], [sflag:$0x1] =	stream.indirect.gather [hbm4b:s5+s6], $0x20, s19, s6, $0xb8;
	[tilespmem:$0xA800] =	vst v63  }
0x3c: {  	_ =	swait.ge [sflag:s8], $0x8000  }
0x3d: {  	[sflag:s8] =	ssyncset.done $0x0  }
0x3e: {  	s20 =	sadd.s32 $0x6000, s26;
	[sflag:s8] =	ssyncadd.s32 $0xFFFF8000  }
0x3f: {  	[hbm4b:s20+s2] =	stream.linear.scatter [tilespmem:s7], [sflag:$0x2], $0x8000, $0x38;
	[tilespmem:$0xA800] =	vst v63  }
0x40: {  	_ =	swait.ge [sflag:s3], $0x8000  }
0x41: {  	[sflag:s3] =	ssyncset.done $0x0  }
0x42: {  	s21 =	simm.s32 $0x1C00;
	[sflag:s3] =	ssyncadd.s32 $0xFFFF8000  }
0x43: {  	[tilespmem:s7], [sflag:$0x1] =	stream.indirect.gather [hbm4b:s5+s6], $0x20, s21, s6, $0xb8;
	[tilespmem:$0xA800] =	vst v63  }
0x44: {  	_ =	swait.ge [sflag:s8], $0x8000  }
0x45: {  	[sflag:s8] =	ssyncset.done $0x0  }
0x46: {  	s22 =	sadd.s32 $0x7000, s26;
	[sflag:s8] =	ssyncadd.s32 $0xFFFF8000  }
0x47: {  	[hbm4b:s22+s2] =	stream.linear.scatter [tilespmem:s7], [sflag:$0x2], $0x8000, $0x38;
	[tilespmem:$0xA800] =	vst v63  }
0x48: {  	_ =	swait.ge [sflag:s3], $0x8000  }
0x49: {  	[sflag:s3] =	ssyncset.done $0x0  }
0x4a: {  	s23 =	simm.s32 $0x2000;
	[sflag:s3] =	ssyncadd.s32 $0xFFFF8000  }
0x4b: {  	[tilespmem:s7], [sflag:$0x1] =	stream.indirect.gather [hbm4b:s5+s6], $0x20, s23, s6, $0xb8;
	[tilespmem:$0xA800] =	vst v63  }
0x4c: {  	_ =	swait.ge [sflag:s8], $0x8000  }
0x4d: {  	[sflag:s8] =	ssyncset.done $0x0  }
0x4e: {  	s28 =	ssub.s32 $0x2, s25;
	s24 =	sadd.s32 $0x8000, s26;
	[sflag:s8] =	ssyncadd.s32 $0xFFFF8000  }
0x4f: {  	[hbm4b:s24+s2] =	stream.linear.scatter [tilespmem:s7], [sflag:$0x2], $0x8000, $0x38;
	[tilespmem:$0xA800] =	vst v63  }
0x50: {  	s29 =	sshrl.u32 s28, $0x1;
	_ =	swait.ge [sflag:s3], $0x8000  }
0x51: {  	s28 =	ssub.s32 s28, s29;
	[sflag:s3] =	ssyncset.done $0x0  }
0x52: {  	s25 =	simm.s32 $0x2400;
	s28 =	smax.u32 s28, $0x1;
	[sflag:s3] =	ssyncadd.s32 $0xFFFF8000  }
0x53: {  	[tilespmem:s7], [sflag:$0x1] =	stream.indirect.gather [hbm4b:s5+s6], $0x20, s25, s6, $0xb8;
	[tilespmem:$0xA800] =	vst v63  }
0x54: {  	p0 =	sne.s32 s28, $0x1;
	_ =	swait.ge [sflag:s8], $0x8000  }
.Ltmp0:
0x55: {  	[sflag:s8] =	ssyncset.done $0x0;
	(pc) =	sbr.rel @!p0 .LBB2_2-.Ltmp0, $4  }
0x56: {  	s26 =	sadd.s32 $0x9000, s26;
	[sflag:s8] =	ssyncadd.s32 $0xFFFF8000  }
0x57: {  	[hbm4b:s26+s2] =	stream.linear.scatter [tilespmem:s7], [sflag:$0x2], $0x8000, $0x38;
	[tilespmem:$0xA800] =	vst v63  }
0x58: {  	_ =	swait.ge [sflag:s3], $0x8000  }
0x59: {  	s28 =	sadd.s32 $0xFFFFFFFF, s28;
	[sflag:s3] =	ssyncset.done $0x0  }
.LBB2_1:
0x5a: {  	p0 =	sne.s32 s28, $0x1;
	s28 =	sadd.s32 $0xFFFFFFFF, s28;
	[sflag:s3] =	ssyncadd.s32 $0xFFFF8000  }
0x5b: {  	[tilespmem:s2], [sflag:$0x2] =	stream.linear.gather [hbm4b:s4+s2], $0x2800, $0x38;
	[tilespmem:$0xA800] =	vst v63  }
0x5c: {  	_ =	swait.ge [sflag:s3], $0x2800  }
0x5d: {  	[sflag:s3] =	ssyncset.done $0x0  }
0x5e: {  	[sflag:s3] =	ssyncadd.s32 $0xFFFFD800  }
0x5f: {  	[tilespmem:s7], [sflag:$0x1] =	stream.indirect.gather [hbm4b:s5+s6], $0x20, s2, s6, $0xb8;
	[tilespmem:$0xA800] =	vst v63  }
0x60: {  	_ =	swait.ge [sflag:s8], $0x8000  }
0x61: {  	[sflag:s8] =	ssyncset.done $0x0  }
0x62: {  	[sflag:s8] =	ssyncadd.s32 $0xFFFF8000  }
0x63: {  	[hbm4b:s9+s2] =	stream.linear.scatter [tilespmem:s7], [sflag:$0x2], $0x8000, $0x38;
	[tilespmem:$0xA800] =	vst v63  }
0x64: {  	_ =	swait.ge [sflag:s3], $0x8000  }
0x65: {  	[sflag:s3] =	ssyncset.done $0x0  }
0x66: {  	[sflag:s3] =	ssyncadd.s32 $0xFFFF8000  }
0x67: {  	[tilespmem:s7], [sflag:$0x1] =	stream.indirect.gather [hbm4b:s5+s6], $0x20, s6, s6, $0xb8;
	[tilespmem:$0xA800] =	vst v63  }
0x68: {  	_ =	swait.ge [sflag:s8], $0x8000  }
0x69: {  	[sflag:s8] =	ssyncset.done $0x0  }
0x6a: {  	[sflag:s8] =	ssyncadd.s32 $0xFFFF8000  }
0x6b: {  	[hbm4b:s10+s2] =	stream.linear.scatter [tilespmem:s7], [sflag:$0x2], $0x8000, $0x38;
	[tilespmem:$0xA800] =	vst v63  }
0x6c: {  	_ =	swait.ge [sflag:s3], $0x8000  }
0x6d: {  	[sflag:s3] =	ssyncset.done $0x0  }
0x6e: {  	[sflag:s3] =	ssyncadd.s32 $0xFFFF8000  }
0x6f: {  	[tilespmem:s7], [sflag:$0x1] =	stream.indirect.gather [hbm4b:s5+s6], $0x20, s11, s6, $0xb8;
	[tilespmem:$0xA800] =	vst v63  }
0x70: {  	_ =	swait.ge [sflag:s8], $0x8000  }
0x71: {  	[sflag:s8] =	ssyncset.done $0x0  }
0x72: {  	[sflag:s8] =	ssyncadd.s32 $0xFFFF8000  }
0x73: {  	[hbm4b:s12+s2] =	stream.linear.scatter [tilespmem:s7], [sflag:$0x2], $0x8000, $0x38;
	[tilespmem:$0xA800] =	vst v63  }
0x74: {  	_ =	swait.ge [sflag:s3], $0x8000  }
0x75: {  	[sflag:s3] =	ssyncset.done $0x0  }
0x76: {  	[sflag:s3] =	ssyncadd.s32 $0xFFFF8000  }
0x77: {  	[tilespmem:s7], [sflag:$0x1] =	stream.indirect.gather [hbm4b:s5+s6], $0x20, s13, s6, $0xb8;
	[tilespmem:$0xA800] =	vst v63  }
0x78: {  	_ =	swait.ge [sflag:s8], $0x8000  }
0x79: {  	[sflag:s8] =	ssyncset.done $0x0  }
0x7a: {  	[sflag:s8] =	ssyncadd.s32 $0xFFFF8000  }
0x7b: {  	[hbm4b:s14+s2] =	stream.linear.scatter [tilespmem:s7], [sflag:$0x2], $0x8000, $0x38;
	[tilespmem:$0xA800] =	vst v63  }
0x7c: {  	_ =	swait.ge [sflag:s3], $0x8000  }
0x7d: {  	[sflag:s3] =	ssyncset.done $0x0  }
0x7e: {  	[sflag:s3] =	ssyncadd.s32 $0xFFFF8000  }
0x7f: {  	[tilespmem:s7], [sflag:$0x1] =	stream.indirect.gather [hbm4b:s5+s6], $0x20, s15, s6, $0xb8;
	[tilespmem:$0xA800] =	vst v63  }
0x80: {  	_ =	swait.ge [sflag:s8], $0x8000  }
0x81: {  	[sflag:s8] =	ssyncset.done $0x0  }
0x82: {  	[sflag:s8] =	ssyncadd.s32 $0xFFFF8000  }
0x83: {  	[hbm4b:s16+s2] =	stream.linear.scatter [tilespmem:s7], [sflag:$0x2], $0x8000, $0x38;
	[tilespmem:$0xA800] =	vst v63  }
0x84: {  	_ =	swait.ge [sflag:s3], $0x8000  }
0x85: {  	[sflag:s3] =	ssyncset.done $0x0  }
0x86: {  	[sflag:s3] =	ssyncadd.s32 $0xFFFF8000  }
0x87: {  	[tilespmem:s7], [sflag:$0x1] =	stream.indirect.gather [hbm4b:s5+s6], $0x20, s17, s6, $0xb8;
	[tilespmem:$0xA800] =	vst v63  }
0x88: {  	_ =	swait.ge [sflag:s8], $0x8000  }
0x89: {  	[sflag:s8] =	ssyncset.done $0x0  }
0x8a: {  	[sflag:s8] =	ssyncadd.s32 $0xFFFF8000  }
0x8b: {  	[hbm4b:s18+s2] =	stream.linear.scatter [tilespmem:s7], [sflag:$0x2], $0x8000, $0x38;
	[tilespmem:$0xA800] =	vst v63  }
0x8c: {  	_ =	swait.ge [sflag:s3], $0x8000  }
0x8d: {  	[sflag:s3] =	ssyncset.done $0x0  }
0x8e: {  	[sflag:s3] =	ssyncadd.s32 $0xFFFF8000  }
0x8f: {  	[tilespmem:s7], [sflag:$0x1] =	stream.indirect.gather [hbm4b:s5+s6], $0x20, s19, s6, $0xb8;
	[tilespmem:$0xA800] =	vst v63  }
0x90: {  	_ =	swait.ge [sflag:s8], $0x8000  }
0x91: {  	[sflag:s8] =	ssyncset.done $0x0  }
0x92: {  	[sflag:s8] =	ssyncadd.s32 $0xFFFF8000  }
0x93: {  	[hbm4b:s20+s2] =	stream.linear.scatter [tilespmem:s7], [sflag:$0x2], $0x8000, $0x38;
	[tilespmem:$0xA800] =	vst v63  }
0x94: {  	_ =	swait.ge [sflag:s3], $0x8000  }
0x95: {  	[sflag:s3] =	ssyncset.done $0x0  }
0x96: {  	[sflag:s3] =	ssyncadd.s32 $0xFFFF8000  }
0x97: {  	[tilespmem:s7], [sflag:$0x1] =	stream.indirect.gather [hbm4b:s5+s6], $0x20, s21, s6, $0xb8;
	[tilespmem:$0xA800] =	vst v63  }
0x98: {  	_ =	swait.ge [sflag:s8], $0x8000  }
0x99: {  	[sflag:s8] =	ssyncset.done $0x0  }
0x9a: {  	[sflag:s8] =	ssyncadd.s32 $0xFFFF8000  }
0x9b: {  	[hbm4b:s22+s2] =	stream.linear.scatter [tilespmem:s7], [sflag:$0x2], $0x8000, $0x38;
	[tilespmem:$0xA800] =	vst v63  }
0x9c: {  	_ =	swait.ge [sflag:s3], $0x8000  }
0x9d: {  	[sflag:s3] =	ssyncset.done $0x0  }
0x9e: {  	[sflag:s3] =	ssyncadd.s32 $0xFFFF8000  }
0x9f: {  	[tilespmem:s7], [sflag:$0x1] =	stream.indirect.gather [hbm4b:s5+s6], $0x20, s23, s6, $0xb8;
	[tilespmem:$0xA800] =	vst v63  }
0xa0: {  	_ =	swait.ge [sflag:s8], $0x8000  }
0xa1: {  	[sflag:s8] =	ssyncset.done $0x0  }
0xa2: {  	[sflag:s8] =	ssyncadd.s32 $0xFFFF8000  }
0xa3: {  	[hbm4b:s24+s2] =	stream.linear.scatter [tilespmem:s7], [sflag:$0x2], $0x8000, $0x38;
	[tilespmem:$0xA800] =	vst v63  }
0xa4: {  	_ =	swait.ge [sflag:s3], $0x8000  }
0xa5: {  	[sflag:s3] =	ssyncset.done $0x0  }
0xa6: {  	[sflag:s3] =	ssyncadd.s32 $0xFFFF8000  }
0xa7: {  	[tilespmem:s7], [sflag:$0x1] =	stream.indirect.gather [hbm4b:s5+s6], $0x20, s25, s6, $0xb8;
	[tilespmem:$0xA800] =	vst v63  }
0xa8: {  	_ =	swait.ge [sflag:s8], $0x8000  }
.Ltmp1:
0xa9: {  	[sflag:s8] =	ssyncset.done $0x0;
	(pc) =	sbr.rel @p0 .LBB2_1-.Ltmp1, $4  }
0xaa: {  	[sflag:s8] =	ssyncadd.s32 $0xFFFF8000  }
0xab: {  	[hbm4b:s26+s2] =	stream.linear.scatter [tilespmem:s7], [sflag:$0x2], $0x8000, $0x38;
	[tilespmem:$0xA800] =	vst v63  }
0xac: {  	_ =	swait.ge [sflag:s3], $0x8000  }
0xad: {  	[sflag:s3] =	ssyncset.done $0x0  }
.LBB2_2:
0xae: {  	[sflag:s3] =	ssyncadd.s32 $0xFFFF8000  }
0xaf: {  	_ =	sfence.sel $0x180000  }
0xb0: {  	[bflag:$0x0] =	sbarrier.arrive $0xFFFF  }
0xb1: {  	p0 =	sne.s32 s0, $0x0;
	_ =	strace $0x90000047  }
0xb2: {  	s0 =	sadd.s32 @!p0 $0x100000, s1;
	[bflag:$0x2] =	sbarrier.arrive $0xFFFF  }
0xb3: {  	[sflag:s0] =	ssyncadd.tile.s32 @!p0 $0x1;
	_ =	shalt  }
.Lfunc_end2:
_tile_overlayer_lowered:
.L_overlay_start_2:
0xb4: {  	(tag) =	ssettag $0x2  }
0xb5: {  	s0 =	rddreg [dreg:$0x0];
	s2 =	stileid.u32  }
0xb6: {  	s1 =	rddreg [dreg:$0x1];
	p0 =	sne.s32 s2, $0x0  }
0xb7: {  	s3 =	rddreg [dreg:$0x2];
	[bflag:$0x3] =	sbarrier.arrive $0xFFFF;
	s2 =	simm.s32 @!p0 $0x1C02  }
0xb8: {  	[timem:s3], [sflag:s2] =	dma.local @!p0 [hbm:s0], s1  }
0xb9: {  	s0 =	simm.s32 @!p0 $0x2  }
0xba: {  	_ =	swait.ge @!p0 [sflag:s0], s1  }
0xbb: {  	s1 =	ssub.s32 @!p0 $0x0, s1;
	[sflag:s0] =	ssyncset.done @!p0 $0x0  }
0xbc: {  	[sflag:s0] =	ssyncadd.s32 @!p0 s1  }
0xbd: {  	[bflag:$0x3] =	sbarrier.arrive $0xFFFF  }
0xbe: {  	_ =	shalt  }

</sc_bundles>
